<compile_context>
chip_gen: v7x
topology: tpu7x:2x2x1
jax: 0.10.2.dev20260603
libtpu: 0.0.44.dev20260713+nightly
codegen_flags: <defaults>
</compile_context>

<pallas_src>
import functools

import jax
import jax.numpy as jnp
from jax import lax
from jax.experimental import pallas as pl
from jax.experimental.pallas import tpu as pltpu
from jax.experimental.pallas import tpu_sc as plsc

E = 64
TOPK = 2
D = 768
DFF = 768
T = 2048

BM = 128
S = 12288
NT = S // BM
NW = 32
BPW = 2 * T // NW
TPW = T // NW


def _csum_sublane(a, n):
    s = 1
    while s < n:
        z = jnp.zeros((s, a.shape[1]), a.dtype)
        a = a + jnp.concatenate([z, a[: n - s]], axis=0)
        s *= 2
    return a


def _route_body(x_ref, gw_ref, slots_ref, wb_ref, meta_ref):
    logits = jnp.dot(x_ref[...], gw_ref[...], preferred_element_type=jnp.float32)
    e_iota = lax.broadcasted_iota(jnp.int32, (T, E), 1)
    m1 = jnp.max(logits, axis=1, keepdims=True)
    a1 = jnp.min(jnp.where(logits == m1, e_iota, E), axis=1, keepdims=True)
    sel1 = e_iota == a1
    oh1 = sel1.astype(jnp.float32)
    masked = jnp.where(sel1, -jnp.inf, logits)
    m2 = jnp.max(masked, axis=1, keepdims=True)
    a2 = jnp.min(jnp.where(masked == m2, e_iota, E), axis=1, keepdims=True)
    oh2 = (e_iota == a2).astype(jnp.float32)
    w1 = 1.0 / (1.0 + jnp.exp(m2 - m1))
    w2 = 1.0 - w1

    csum12 = _csum_sublane(jnp.concatenate([oh1, oh2], axis=1), T)
    csum1 = csum12[:, :E]
    csum2 = csum12[:, E:]
    cnt1 = csum1[T - 1 : T, :]
    cnt2 = csum2[T - 1 : T, :]
    rank1 = jnp.sum((csum1 - oh1) * oh1, axis=1, keepdims=True)
    rank2 = jnp.sum((cnt1 + csum2 - oh2) * oh2, axis=1, keepdims=True)

    cnt_row = (cnt1 + cnt2).astype(jnp.int32)
    ee_r = lax.broadcasted_iota(jnp.int32, (E, E), 0)
    ee_c = lax.broadcasted_iota(jnp.int32, (E, E), 1)
    ident = (ee_r == ee_c).astype(jnp.int32)
    cnt_col = jnp.sum(ident * cnt_row, axis=1, keepdims=True)
    padded_col = jnp.bitwise_and(cnt_col + (BM - 1), -BM)
    incl_col = _csum_sublane(padded_col, E)
    off_col = incl_col - padded_col
    off_row = jnp.sum(ident.astype(jnp.float32) * off_col.astype(jnp.float32),
                      axis=0, keepdims=True)

    slot1 = jnp.sum(oh1 * off_row, axis=1, keepdims=True) + rank1
    slot2 = jnp.sum(oh2 * off_row, axis=1, keepdims=True) + rank2
    slots_col = jnp.concatenate([slot1, slot2], axis=0).astype(jnp.int32)
    slots_ref[...] = jnp.reshape(slots_col, (2 * T // 128, 128))
    wb_ref[...] = jnp.broadcast_to(jnp.concatenate([w1, w2], axis=0), (2 * T, 128))

    jm = lax.broadcasted_iota(jnp.int32, (E, NT), 1) * BM
    te = jnp.sum((incl_col <= jm).astype(jnp.int32), axis=0, keepdims=True)
    te = jnp.minimum(te, E - 1)
    used = lax.shift_right_logical(incl_col[E - 1 : E, :],
                                   BM.bit_length() - 1)
    meta_ref[...] = jnp.reshape(jnp.concatenate([te, used], axis=1), (NT + 1,))


def _gmm_body(meta_ref, xg_ref, ws_ref, wg_ref, wu_ref, wd_ref, y_ref):
    j = pl.program_id(0)

    @pl.when(j < meta_ref[NT])
    def _():
        xt = xg_ref[...]
        g = jnp.dot(xt, wg_ref[0], preferred_element_type=jnp.float32)
        u = jnp.dot(xt, wu_ref[0], preferred_element_type=jnp.float32)
        h = (g * jax.nn.sigmoid(g)) * u * ws_ref[...][:, 0:1]
        y_ref[...] = jnp.dot(h, wd_ref[0], preferred_element_type=jnp.float32)


def _sc_scatter_body(x_hbm, slots_hbm, wb_hbm, xg_hbm, ws_hbm, idx_a, idx_b,
                     rows_v, wrows_v, sem0, sem1, sem2, sem3):
    wid = lax.axis_index("s") * 2 + lax.axis_index("c")
    base = wid * BPW
    HB = BPW // 2
    tb = jnp.where(base >= T, base - T, base)
    c0 = pltpu.async_copy(slots_hbm.at[pl.ds(base, HB)], idx_a, sem0)
    c0b = pltpu.async_copy(slots_hbm.at[pl.ds(base + HB, HB)], idx_b, sem3)
    c1 = pltpu.async_copy(x_hbm.at[pl.ds(tb, BPW)], rows_v, sem1)
    c2 = pltpu.async_copy(wb_hbm.at[pl.ds(base, BPW)], wrows_v, sem2)
    c0.wait()
    c0b.wait()
    c1.wait()
    c2.wait()
    c3 = pltpu.async_copy(rows_v.at[pl.ds(0, HB)], xg_hbm.at[idx_a], sem0)
    c4 = pltpu.async_copy(rows_v.at[pl.ds(HB, HB)], xg_hbm.at[idx_b], sem1)
    c5 = pltpu.async_copy(wrows_v.at[pl.ds(0, HB)], ws_hbm.at[idx_a], sem2)
    c6 = pltpu.async_copy(wrows_v.at[pl.ds(HB, HB)], ws_hbm.at[idx_b], sem3)
    c3.wait()
    c4.wait()
    c5.wait()
    c6.wait()


def _sc_combine_body(yw_hbm, slots_hbm, out_hbm, i1_v, i2_v, g1, g2,
                     sem0, sem1, sem2, sem3):
    wid = lax.axis_index("s") * 2 + lax.axis_index("c")
    base = wid * TPW
    H = TPW // 2
    c0 = pltpu.async_copy(slots_hbm.at[pl.ds(base, TPW)], i1_v, sem0)
    c1 = pltpu.async_copy(slots_hbm.at[pl.ds(T + base, TPW)], i2_v, sem1)
    c0.wait()
    c1.wait()
    c1a = pltpu.async_copy(yw_hbm.at[i1_v.at[pl.ds(0, H)]], g1.at[pl.ds(0, H)], sem0)
    c2a = pltpu.async_copy(yw_hbm.at[i2_v.at[pl.ds(0, H)]], g2.at[pl.ds(0, H)], sem1)
    c1b = pltpu.async_copy(yw_hbm.at[i1_v.at[pl.ds(H, H)]], g1.at[pl.ds(H, H)], sem2)
    c2b = pltpu.async_copy(yw_hbm.at[i2_v.at[pl.ds(H, H)]], g2.at[pl.ds(H, H)], sem3)
    c1a.wait()
    c2a.wait()

    @pl.loop(0, H)
    def _(r):
        @pl.loop(0, D, step=16)
        def _(c):
            plsc.addupdate(g1.at[r, pl.ds(c, 16)], g2[r, pl.ds(c, 16)])

    c3a = pltpu.async_copy(g1.at[pl.ds(0, H)], out_hbm.at[pl.ds(base, H)], sem0)
    c1b.wait()
    c2b.wait()

    @pl.loop(H, TPW)
    def _(r):
        @pl.loop(0, D, step=16)
        def _(c):
            plsc.addupdate(g1.at[r, pl.ds(c, 16)], g2[r, pl.ds(c, 16)])

    c3b = pltpu.async_copy(g1.at[pl.ds(H, H)], out_hbm.at[pl.ds(base + H, H)], sem1)
    c3a.wait()
    c3b.wait()


@functools.lru_cache(maxsize=None)
def _sc_kernels():
    mesh = plsc.VectorSubcoreMesh(core_axis_name="c", subcore_axis_name="s")
    scatter = pl.kernel(
        _sc_scatter_body,
        mesh=mesh,
        out_type=(
            jax.ShapeDtypeStruct((S, D), jnp.float32),
            jax.ShapeDtypeStruct((S, 128), jnp.float32),
        ),
        scratch_types=[
            pltpu.VMEM((BPW // 2,), jnp.int32),
            pltpu.VMEM((BPW // 2,), jnp.int32),
            pltpu.VMEM((BPW, D), jnp.float32),
            pltpu.VMEM((BPW, 128), jnp.float32),
            pltpu.SemaphoreType.DMA,
            pltpu.SemaphoreType.DMA,
            pltpu.SemaphoreType.DMA,
            pltpu.SemaphoreType.DMA,
        ],
    )
    combine = pl.kernel(
        _sc_combine_body,
        mesh=mesh,
        out_type=jax.ShapeDtypeStruct((T, D), jnp.float32),
        scratch_types=[
            pltpu.VMEM((TPW,), jnp.int32),
            pltpu.VMEM((TPW,), jnp.int32),
            pltpu.VMEM((TPW, D), jnp.float32),
            pltpu.VMEM((TPW, D), jnp.float32),
            pltpu.SemaphoreType.DMA,
            pltpu.SemaphoreType.DMA,
            pltpu.SemaphoreType.DMA,
            pltpu.SemaphoreType.DMA,
        ],
    )
    return scatter, combine


def kernel(x, gate_W, Wg, Wu, Wd):
    slots2d, wb, meta2d = pl.pallas_call(
        _route_body,
        out_shape=(
            jax.ShapeDtypeStruct((2 * T // 128, 128), jnp.int32),
            jax.ShapeDtypeStruct((2 * T, 128), jnp.float32),
            jax.ShapeDtypeStruct((NT + 1,), jnp.int32),
        ),
    )(x, gate_W)
    slots = slots2d.reshape(2 * T)
    meta = meta2d

    _sc_scatter, _sc_combine = _sc_kernels()
    xg, ws = _sc_scatter(x, slots, wb)

    grid_spec = pltpu.PrefetchScalarGridSpec(
        num_scalar_prefetch=1,
        grid=(NT,),
        in_specs=[
            pl.BlockSpec((BM, D), lambda j, m: (jnp.minimum(j, m[NT] - 1), 0)),
            pl.BlockSpec((BM, 128), lambda j, m: (jnp.minimum(j, m[NT] - 1), 0)),
            pl.BlockSpec((1, D, DFF), lambda j, m: (m[j], 0, 0)),
            pl.BlockSpec((1, D, DFF), lambda j, m: (m[j], 0, 0)),
            pl.BlockSpec((1, DFF, D), lambda j, m: (m[j], 0, 0)),
        ],
        out_specs=pl.BlockSpec((BM, D), lambda j, m: (jnp.minimum(j, m[NT] - 1), 0)),
    )
    yw = pl.pallas_call(
        _gmm_body,
        grid_spec=grid_spec,
        out_shape=jax.ShapeDtypeStruct((S, D), jnp.float32),
    )(meta, xg, ws, Wg, Wu, Wd)

    return _sc_combine(yw, slots)

# --- scband reference (transcript-rebuilt; emitter-appended) ---
"""Pipeline reference for scband-block-sparse-mlp-32899449487637 (READ-ONLY COPY).

The authoritative reference and input builder live on the scoring server;
editing this copy changes nothing except your own understanding.
"""

import jax, jax.numpy as jnp
import numpy as np

E = 64        # num_experts
TOPK = 2      # num_experts_per_tok
D = 768       # hidden_size
DFF = 768     # intermediate_size
T = 2048      # tokens = batch(1) * seq_len(2048)


def setup_inputs(seed: int = 0) -> dict:
    key = jax.random.key(seed)
    ks = jax.random.split(key, 5)
    x = jax.random.normal(ks[0], (T, D), dtype=jnp.float32)
    gate_W = jax.random.normal(ks[1], (D, E), dtype=jnp.float32) * 0.02
    Wg = jax.random.normal(ks[2], (E, D, DFF), dtype=jnp.float32) * 0.02
    Wu = jax.random.normal(ks[3], (E, D, DFF), dtype=jnp.float32) * 0.02
    Wd = jax.random.normal(ks[4], (E, DFF, D), dtype=jnp.float32) * 0.02
    return {"x": x, "gate_W": gate_W, "Wg": Wg, "Wu": Wu, "Wd": Wd}


def reference(x, gate_W, Wg, Wu, Wd):
    # routing_std: router logits -> top-k -> softmax over the k selected logits
    router_logits = jnp.matmul(x, gate_W)                     # [T, E]
    topk_logits, selected_experts = jax.lax.top_k(router_logits, TOPK)
    routing_weights = jax.nn.softmax(topk_logits, axis=-1)    # [T, TOPK]

    out = jnp.zeros((T, D), dtype=jnp.float32)
    for e in range(E):
        w = jnp.sum(
            jnp.where(selected_experts == e, routing_weights, 0.0), axis=-1
        )                                                     # [T]
        h = jax.nn.silu(jnp.matmul(x, Wg[e])) * jnp.matmul(x, Wu[e])
        y = jnp.matmul(h, Wd[e])                              # [T, D]
        out = out + w[:, None] * y                            # masked combine
    return out

if __name__ == "__main__":
    import jax
    _d = setup_inputs()
    print(jax.jit(kernel)(*tuple(_d.values())))

</pallas_src>

<mosaic_0001>
#map = affine_map<(d0, d1) -> (0, 0)>
#map1 = affine_map<(d0, d1) -> (0)>
module attributes {stable_mosaic.version = 14 : i64} {
  func.func @_sc_scatter_body(%arg0: i32, %arg1: i32, %arg2: memref<2048x768xf32, #tpu.memory_space<hbm>>, %arg3: memref<4096xi32, #tpu.memory_space<hbm>>, %arg4: memref<4096x128xf32, #tpu.memory_space<hbm>>, %arg5: memref<12288x768xf32, #tpu.memory_space<hbm>>, %arg6: memref<12288x128xf32, #tpu.memory_space<hbm>>, %arg7: memref<64xi32, #tpu.memory_space<vmem>>, %arg8: memref<64xi32, #tpu.memory_space<vmem>>, %arg9: memref<128x768xf32, #tpu.memory_space<vmem>>, %arg10: memref<128x128xf32, #tpu.memory_space<vmem>>, %arg11: memref<!tpu.dma_semaphore, #tpu.memory_space<semaphore_mem>>, %arg12: memref<!tpu.dma_semaphore, #tpu.memory_space<semaphore_mem>>, %arg13: memref<!tpu.dma_semaphore, #tpu.memory_space<semaphore_mem>>, %arg14: memref<!tpu.dma_semaphore, #tpu.memory_space<semaphore_mem>>) attributes {dimension_semantics = [#tpu.dimension_semantics<core_parallel>, #tpu.dimension_semantics<subcore_parallel>], iteration_bounds = array<i64: 2, 16>, scalar_prefetch = 0 : i64, scratch_operands = 8 : i64, tpu.core_type = #tpu.core_type<sc_vector_subcore>, window_params = [{transform_indices = #map}, {transform_indices = #map1}, {transform_indices = #map}, {transform_indices = #map}, {transform_indices = #map}]} {
    %mul3A = arith.constant 2 : i32
    %mul3A_0 = arith.muli %arg1, %mul3A : i32
    %add3A = arith.addi %mul3A_0, %arg0 : i32
    %mul3A_1 = arith.constant 128 : i32
    %mul3A_2 = arith.muli %add3A, %mul3A_1 : i32
    %ge3A = arith.constant 2048 : i32
    %ge3A_3 = arith.cmpi sge, %mul3A_2, %ge3A : i32
    %sub3A = arith.constant 2048 : i32
    %sub3A_4 = arith.subi %mul3A_2, %sub3A : i32
    %select_n3A = arith.select %ge3A_3, %sub3A_4, %mul3A_2 : i32
    %dma_start3A = tpu.memref_slice %arg3[%mul3A_2] : memref<4096xi32, #tpu.memory_space<hbm>> -> memref<64xi32, #tpu.memory_space<hbm>>
    %dma_start3A_5 = tpu.memref_slice %arg3[%mul3A_2] : memref<4096xi32, #tpu.memory_space<hbm>> -> memref<64xi32, #tpu.memory_space<hbm>>
    tpu.enqueue_dma source(%dma_start3A_5 : memref<64xi32, #tpu.memory_space<hbm>>) target(%arg7 : memref<64xi32, #tpu.memory_space<vmem>>) target_semaphore(%arg11 : memref<!tpu.dma_semaphore, #tpu.memory_space<semaphore_mem>>)
    %add3A_6 = arith.constant 64 : i32
    %add3A_7 = arith.addi %mul3A_2, %add3A_6 : i32
    %dma_start3A_8 = tpu.memref_slice %arg3[%add3A_7] : memref<4096xi32, #tpu.memory_space<hbm>> -> memref<64xi32, #tpu.memory_space<hbm>>
    %dma_start3A_9 = tpu.memref_slice %arg3[%add3A_7] : memref<4096xi32, #tpu.memory_space<hbm>> -> memref<64xi32, #tpu.memory_space<hbm>>
    tpu.enqueue_dma source(%dma_start3A_9 : memref<64xi32, #tpu.memory_space<hbm>>) target(%arg8 : memref<64xi32, #tpu.memory_space<vmem>>) target_semaphore(%arg14 : memref<!tpu.dma_semaphore, #tpu.memory_space<semaphore_mem>>)
    %dma_start3A_10 = arith.constant 0 : i32
    %dma_start3A_11 = tpu.memref_slice %arg2[%select_n3A, %dma_start3A_10] : memref<2048x768xf32, #tpu.memory_space<hbm>> -> memref<128x768xf32, #tpu.memory_space<hbm>>
    %dma_start3A_12 = arith.constant 0 : i32
    %dma_start3A_13 = tpu.memref_slice %arg2[%select_n3A, %dma_start3A_12] : memref<2048x768xf32, #tpu.memory_space<hbm>> -> memref<128x768xf32, #tpu.memory_space<hbm>>
    tpu.enqueue_dma source(%dma_start3A_13 : memref<128x768xf32, #tpu.memory_space<hbm>>) target(%arg9 : memref<128x768xf32, #tpu.memory_space<vmem>>) target_semaphore(%arg12 : memref<!tpu.dma_semaphore, #tpu.memory_space<semaphore_mem>>)
    %dma_start3A_14 = arith.constant 0 : i32
    %dma_start3A_15 = tpu.memref_slice %arg4[%mul3A_2, %dma_start3A_14] : memref<4096x128xf32, #tpu.memory_space<hbm>> -> memref<128x128xf32, #tpu.memory_space<hbm>>
    %dma_start3A_16 = arith.constant 0 : i32
    %dma_start3A_17 = tpu.memref_slice %arg4[%mul3A_2, %dma_start3A_16] : memref<4096x128xf32, #tpu.memory_space<hbm>> -> memref<128x128xf32, #tpu.memory_space<hbm>>
    tpu.enqueue_dma source(%dma_start3A_17 : memref<128x128xf32, #tpu.memory_space<hbm>>) target(%arg10 : memref<128x128xf32, #tpu.memory_space<vmem>>) target_semaphore(%arg13 : memref<!tpu.dma_semaphore, #tpu.memory_space<semaphore_mem>>)
    %dma_wait3A = tpu.memref_slice %arg3[%mul3A_2] : memref<4096xi32, #tpu.memory_space<hbm>> -> memref<64xi32, #tpu.memory_space<hbm>>
    %dma_wait3A_18 = tpu.memref_slice %arg3[%mul3A_2] : memref<4096xi32, #tpu.memory_space<hbm>> -> memref<64xi32, #tpu.memory_space<hbm>>
    tpu.wait_dma2 semaphore(%arg11 : memref<!tpu.dma_semaphore, #tpu.memory_space<semaphore_mem>>) src(%dma_wait3A_18 : memref<64xi32, #tpu.memory_space<hbm>>) dst(%arg7 : memref<64xi32, #tpu.memory_space<vmem>>)
    %dma_wait3A_19 = tpu.memref_slice %arg3[%add3A_7] : memref<4096xi32, #tpu.memory_space<hbm>> -> memref<64xi32, #tpu.memory_space<hbm>>
    %dma_wait3A_20 = tpu.memref_slice %arg3[%add3A_7] : memref<4096xi32, #tpu.memory_space<hbm>> -> memref<64xi32, #tpu.memory_space<hbm>>
    tpu.wait_dma2 semaphore(%arg14 : memref<!tpu.dma_semaphore, #tpu.memory_space<semaphore_mem>>) src(%dma_wait3A_20 : memref<64xi32, #tpu.memory_space<hbm>>) dst(%arg8 : memref<64xi32, #tpu.memory_space<vmem>>)
    %dma_wait3A_21 = arith.constant 0 : i32
    %dma_wait3A_22 = tpu.memref_slice %arg2[%select_n3A, %dma_wait3A_21] : memref<2048x768xf32, #tpu.memory_space<hbm>> -> memref<128x768xf32, #tpu.memory_space<hbm>>
    %dma_wait3A_23 = arith.constant 0 : i32
    %dma_wait3A_24 = tpu.memref_slice %arg2[%select_n3A, %dma_wait3A_23] : memref<2048x768xf32, #tpu.memory_space<hbm>> -> memref<128x768xf32, #tpu.memory_space<hbm>>
    tpu.wait_dma2 semaphore(%arg12 : memref<!tpu.dma_semaphore, #tpu.memory_space<semaphore_mem>>) src(%dma_wait3A_24 : memref<128x768xf32, #tpu.memory_space<hbm>>) dst(%arg9 : memref<128x768xf32, #tpu.memory_space<vmem>>)
    %dma_wait3A_25 = arith.constant 0 : i32
    %dma_wait3A_26 = tpu.memref_slice %arg4[%mul3A_2, %dma_wait3A_25] : memref<4096x128xf32, #tpu.memory_space<hbm>> -> memref<128x128xf32, #tpu.memory_space<hbm>>
    %dma_wait3A_27 = arith.constant 0 : i32
    %dma_wait3A_28 = tpu.memref_slice %arg4[%mul3A_2, %dma_wait3A_27] : memref<4096x128xf32, #tpu.memory_space<hbm>> -> memref<128x128xf32, #tpu.memory_space<hbm>>
    tpu.wait_dma2 semaphore(%arg13 : memref<!tpu.dma_semaphore, #tpu.memory_space<semaphore_mem>>) src(%dma_wait3A_28 : memref<128x128xf32, #tpu.memory_space<hbm>>) dst(%arg10 : memref<128x128xf32, #tpu.memory_space<vmem>>)
    %dma_start3A_29 = arith.constant 0 : i32
    %dma_start3A_30 = arith.constant 0 : i32
    %dma_start3A_31 = tpu.memref_slice %arg9[%dma_start3A_29, %dma_start3A_30] : memref<128x768xf32, #tpu.memory_space<vmem>> -> memref<64x768xf32, #tpu.memory_space<vmem>>
    %dma_start3A_32 = arith.constant 0 : i32
    %dma_start3A_33 = arith.constant 0 : i32
    %dma_start3A_34 = tpu.memref_slice %arg5[%dma_start3A_32, %dma_start3A_33] : memref<12288x768xf32, #tpu.memory_space<hbm>> -> memref<12288x768xf32, #tpu.memory_space<hbm>>
    tpu.enqueue_indirect_dma source(%dma_start3A_31 : memref<64x768xf32, #tpu.memory_space<vmem>>) target(%dma_start3A_34 : memref<12288x768xf32, #tpu.memory_space<hbm>>) offsets(%arg7 : memref<64xi32, #tpu.memory_space<vmem>>) semaphore(%arg11 : memref<!tpu.dma_semaphore, #tpu.memory_space<semaphore_mem>>)
    %dma_start3A_35 = arith.constant 64 : i32
    %dma_start3A_36 = arith.constant 0 : i32
    %dma_start3A_37 = tpu.memref_slice %arg9[%dma_start3A_35, %dma_start3A_36] : memref<128x768xf32, #tpu.memory_space<vmem>> -> memref<64x768xf32, #tpu.memory_space<vmem>>
    %dma_start3A_38 = arith.constant 0 : i32
    %dma_start3A_39 = arith.constant 0 : i32
    %dma_start3A_40 = tpu.memref_slice %arg5[%dma_start3A_38, %dma_start3A_39] : memref<12288x768xf32, #tpu.memory_space<hbm>> -> memref<12288x768xf32, #tpu.memory_space<hbm>>
    tpu.enqueue_indirect_dma source(%dma_start3A_37 : memref<64x768xf32, #tpu.memory_space<vmem>>) target(%dma_start3A_40 : memref<12288x768xf32, #tpu.memory_space<hbm>>) offsets(%arg8 : memref<64xi32, #tpu.memory_space<vmem>>) semaphore(%arg12 : memref<!tpu.dma_semaphore, #tpu.memory_space<semaphore_mem>>)
    %dma_start3A_41 = arith.constant 0 : i32
    %dma_start3A_42 = arith.constant 0 : i32
    %dma_start3A_43 = tpu.memref_slice %arg10[%dma_start3A_41, %dma_start3A_42] : memref<128x128xf32, #tpu.memory_space<vmem>> -> memref<64x128xf32, #tpu.memory_space<vmem>>
    %dma_start3A_44 = arith.constant 0 : i32
    %dma_start3A_45 = arith.constant 0 : i32
    %dma_start3A_46 = tpu.memref_slice %arg6[%dma_start3A_44, %dma_start3A_45] : memref<12288x128xf32, #tpu.memory_space<hbm>> -> memref<12288x128xf32, #tpu.memory_space<hbm>>
    tpu.enqueue_indirect_dma source(%dma_start3A_43 : memref<64x128xf32, #tpu.memory_space<vmem>>) target(%dma_start3A_46 : memref<12288x128xf32, #tpu.memory_space<hbm>>) offsets(%arg7 : memref<64xi32, #tpu.memory_space<vmem>>) semaphore(%arg13 : memref<!tpu.dma_semaphore, #tpu.memory_space<semaphore_mem>>)
    %dma_start3A_47 = arith.constant 64 : i32
    %dma_start3A_48 = arith.constant 0 : i32
    %dma_start3A_49 = tpu.memref_slice %arg10[%dma_start3A_47, %dma_start3A_48] : memref<128x128xf32, #tpu.memory_space<vmem>> -> memref<64x128xf32, #tpu.memory_space<vmem>>
    %dma_start3A_50 = arith.constant 0 : i32
    %dma_start3A_51 = arith.constant 0 : i32
    %dma_start3A_52 = tpu.memref_slice %arg6[%dma_start3A_50, %dma_start3A_51] : memref<12288x128xf32, #tpu.memory_space<hbm>> -> memref<12288x128xf32, #tpu.memory_space<hbm>>
    tpu.enqueue_indirect_dma source(%dma_start3A_49 : memref<64x128xf32, #tpu.memory_space<vmem>>) target(%dma_start3A_52 : memref<12288x128xf32, #tpu.memory_space<hbm>>) offsets(%arg8 : memref<64xi32, #tpu.memory_space<vmem>>) semaphore(%arg14 : memref<!tpu.dma_semaphore, #tpu.memory_space<semaphore_mem>>)
    %dma_wait3A_53 = arith.constant 0 : i32
    %dma_wait3A_54 = arith.constant 0 : i32
    %dma_wait3A_55 = tpu.memref_slice %arg9[%dma_wait3A_53, %dma_wait3A_54] : memref<128x768xf32, #tpu.memory_space<vmem>> -> memref<64x768xf32, #tpu.memory_space<vmem>>
    %dma_wait3A_56 = arith.constant 0 : i32
    %dma_wait3A_57 = arith.constant 0 : i32
    %dma_wait3A_58 = tpu.memref_slice %arg5[%dma_wait3A_56, %dma_wait3A_57] : memref<12288x768xf32, #tpu.memory_space<hbm>> -> memref<12288x768xf32, #tpu.memory_space<hbm>>
    tpu.wait_indirect_dma semaphore(%arg11 : memref<!tpu.dma_semaphore, #tpu.memory_space<semaphore_mem>>) src(%dma_wait3A_55 : memref<64x768xf32, #tpu.memory_space<vmem>>) dst(%dma_wait3A_58 : memref<12288x768xf32, #tpu.memory_space<hbm>>)
    %dma_wait3A_59 = arith.constant 64 : i32
    %dma_wait3A_60 = arith.constant 0 : i32
    %dma_wait3A_61 = tpu.memref_slice %arg9[%dma_wait3A_59, %dma_wait3A_60] : memref<128x768xf32, #tpu.memory_space<vmem>> -> memref<64x768xf32, #tpu.memory_space<vmem>>
    %dma_wait3A_62 = arith.constant 0 : i32
    %dma_wait3A_63 = arith.constant 0 : i32
    %dma_wait3A_64 = tpu.memref_slice %arg5[%dma_wait3A_62, %dma_wait3A_63] : memref<12288x768xf32, #tpu.memory_space<hbm>> -> memref<12288x768xf32, #tpu.memory_space<hbm>>
    tpu.wait_indirect_dma semaphore(%arg12 : memref<!tpu.dma_semaphore, #tpu.memory_space<semaphore_mem>>) src(%dma_wait3A_61 : memref<64x768xf32, #tpu.memory_space<vmem>>) dst(%dma_wait3A_64 : memref<12288x768xf32, #tpu.memory_space<hbm>>)
    %dma_wait3A_65 = arith.constant 0 : i32
    %dma_wait3A_66 = arith.constant 0 : i32
    %dma_wait3A_67 = tpu.memref_slice %arg10[%dma_wait3A_65, %dma_wait3A_66] : memref<128x128xf32, #tpu.memory_space<vmem>> -> memref<64x128xf32, #tpu.memory_space<vmem>>
    %dma_wait3A_68 = arith.constant 0 : i32
    %dma_wait3A_69 = arith.constant 0 : i32
    %dma_wait3A_70 = tpu.memref_slice %arg6[%dma_wait3A_68, %dma_wait3A_69] : memref<12288x128xf32, #tpu.memory_space<hbm>> -> memref<12288x128xf32, #tpu.memory_space<hbm>>
    tpu.wait_indirect_dma semaphore(%arg13 : memref<!tpu.dma_semaphore, #tpu.memory_space<semaphore_mem>>) src(%dma_wait3A_67 : memref<64x128xf32, #tpu.memory_space<vmem>>) dst(%dma_wait3A_70 : memref<12288x128xf32, #tpu.memory_space<hbm>>)
    %dma_wait3A_71 = arith.constant 64 : i32
    %dma_wait3A_72 = arith.constant 0 : i32
    %dma_wait3A_73 = tpu.memref_slice %arg10[%dma_wait3A_71, %dma_wait3A_72] : memref<128x128xf32, #tpu.memory_space<vmem>> -> memref<64x128xf32, #tpu.memory_space<vmem>>
    %dma_wait3A_74 = arith.constant 0 : i32
    %dma_wait3A_75 = arith.constant 0 : i32
    %dma_wait3A_76 = tpu.memref_slice %arg6[%dma_wait3A_74, %dma_wait3A_75] : memref<12288x128xf32, #tpu.memory_space<hbm>> -> memref<12288x128xf32, #tpu.memory_space<hbm>>
    tpu.wait_indirect_dma semaphore(%arg14 : memref<!tpu.dma_semaphore, #tpu.memory_space<semaphore_mem>>) src(%dma_wait3A_73 : memref<64x128xf32, #tpu.memory_space<vmem>>) dst(%dma_wait3A_76 : memref<12288x128xf32, #tpu.memory_space<hbm>>)
    return
  }
}

#map = affine_map<(d0, d1) -> (0, 0)>
#map1 = affine_map<(d0, d1) -> (0)>
module attributes {stable_mosaic.version = 14 : i64} {
  func.func @_sc_combine_body(%arg0: i32, %arg1: i32, %arg2: memref<12288x768xf32, #tpu.memory_space<hbm>>, %arg3: memref<4096xi32, #tpu.memory_space<hbm>>, %arg4: memref<2048x768xf32, #tpu.memory_space<hbm>>, %arg5: memref<64xi32, #tpu.memory_space<vmem>>, %arg6: memref<64xi32, #tpu.memory_space<vmem>>, %arg7: memref<64x768xf32, #tpu.memory_space<vmem>>, %arg8: memref<64x768xf32, #tpu.memory_space<vmem>>, %arg9: memref<!tpu.dma_semaphore, #tpu.memory_space<semaphore_mem>>, %arg10: memref<!tpu.dma_semaphore, #tpu.memory_space<semaphore_mem>>, %arg11: memref<!tpu.dma_semaphore, #tpu.memory_space<semaphore_mem>>, %arg12: memref<!tpu.dma_semaphore, #tpu.memory_space<semaphore_mem>>) attributes {dimension_semantics = [#tpu.dimension_semantics<core_parallel>, #tpu.dimension_semantics<subcore_parallel>], iteration_bounds = array<i64: 2, 16>, scalar_prefetch = 0 : i64, scratch_operands = 8 : i64, tpu.core_type = #tpu.core_type<sc_vector_subcore>, window_params = [{transform_indices = #map}, {transform_indices = #map1}, {transform_indices = #map}]} {
    %mul3A = arith.constant 2 : i32
    %mul3A_0 = arith.muli %arg1, %mul3A : i32
    %add3A = arith.addi %mul3A_0, %arg0 : i32
    %mul3A_1 = arith.constant 64 : i32
    %mul3A_2 = arith.muli %add3A, %mul3A_1 : i32
    %dma_start3A = tpu.memref_slice %arg3[%mul3A_2] : memref<4096xi32, #tpu.memory_space<hbm>> -> memref<64xi32, #tpu.memory_space<hbm>>
    %dma_start3A_3 = tpu.memref_slice %arg3[%mul3A_2] : memref<4096xi32, #tpu.memory_space<hbm>> -> memref<64xi32, #tpu.memory_space<hbm>>
    tpu.enqueue_dma source(%dma_start3A_3 : memref<64xi32, #tpu.memory_space<hbm>>) target(%arg5 : memref<64xi32, #tpu.memory_space<vmem>>) target_semaphore(%arg9 : memref<!tpu.dma_semaphore, #tpu.memory_space<semaphore_mem>>)
    %add3A_4 = arith.constant 2048 : i32
    %add3A_5 = arith.addi %add3A_4, %mul3A_2 : i32
    %dma_start3A_6 = tpu.memref_slice %arg3[%add3A_5] : memref<4096xi32, #tpu.memory_space<hbm>> -> memref<64xi32, #tpu.memory_space<hbm>>
    %dma_start3A_7 = tpu.memref_slice %arg3[%add3A_5] : memref<4096xi32, #tpu.memory_space<hbm>> -> memref<64xi32, #tpu.memory_space<hbm>>
    tpu.enqueue_dma source(%dma_start3A_7 : memref<64xi32, #tpu.memory_space<hbm>>) target(%arg6 : memref<64xi32, #tpu.memory_space<vmem>>) target_semaphore(%arg10 : memref<!tpu.dma_semaphore, #tpu.memory_space<semaphore_mem>>)
    %dma_wait3A = tpu.memref_slice %arg3[%mul3A_2] : memref<4096xi32, #tpu.memory_space<hbm>> -> memref<64xi32, #tpu.memory_space<hbm>>
    %dma_wait3A_8 = tpu.memref_slice %arg3[%mul3A_2] : memref<4096xi32, #tpu.memory_space<hbm>> -> memref<64xi32, #tpu.memory_space<hbm>>
    tpu.wait_dma2 semaphore(%arg9 : memref<!tpu.dma_semaphore, #tpu.memory_space<semaphore_mem>>) src(%dma_wait3A_8 : memref<64xi32, #tpu.memory_space<hbm>>) dst(%arg5 : memref<64xi32, #tpu.memory_space<vmem>>)
    %dma_wait3A_9 = tpu.memref_slice %arg3[%add3A_5] : memref<4096xi32, #tpu.memory_space<hbm>> -> memref<64xi32, #tpu.memory_space<hbm>>
    %dma_wait3A_10 = tpu.memref_slice %arg3[%add3A_5] : memref<4096xi32, #tpu.memory_space<hbm>> -> memref<64xi32, #tpu.memory_space<hbm>>
    tpu.wait_dma2 semaphore(%arg10 : memref<!tpu.dma_semaphore, #tpu.memory_space<semaphore_mem>>) src(%dma_wait3A_10 : memref<64xi32, #tpu.memory_space<hbm>>) dst(%arg6 : memref<64xi32, #tpu.memory_space<vmem>>)
    %dma_start3A_11 = arith.constant 0 : i32
    %dma_start3A_12 = arith.constant 0 : i32
    %dma_start3A_13 = tpu.memref_slice %arg7[%dma_start3A_11, %dma_start3A_12] : memref<64x768xf32, #tpu.memory_space<vmem>> -> memref<32x768xf32, #tpu.memory_space<vmem>>
    %dma_start3A_14 = arith.constant 0 : i32
    %dma_start3A_15 = tpu.memref_slice %arg5[%dma_start3A_14] : memref<64xi32, #tpu.memory_space<vmem>> -> memref<32xi32, #tpu.memory_space<vmem>>
    %dma_start3A_16 = arith.constant 0 : i32
    %dma_start3A_17 = arith.constant 0 : i32
    %dma_start3A_18 = tpu.memref_slice %arg2[%dma_start3A_16, %dma_start3A_17] : memref<12288x768xf32, #tpu.memory_space<hbm>> -> memref<12288x768xf32, #tpu.memory_space<hbm>>
    tpu.enqueue_indirect_dma source(%dma_start3A_18 : memref<12288x768xf32, #tpu.memory_space<hbm>>) target(%dma_start3A_13 : memref<32x768xf32, #tpu.memory_space<vmem>>) offsets(%dma_start3A_15 : memref<32xi32, #tpu.memory_space<vmem>>) semaphore(%arg9 : memref<!tpu.dma_semaphore, #tpu.memory_space<semaphore_mem>>)
    %dma_start3A_19 = arith.constant 0 : i32
    %dma_start3A_20 = arith.constant 0 : i32
    %dma_start3A_21 = tpu.memref_slice %arg8[%dma_start3A_19, %dma_start3A_20] : memref<64x768xf32, #tpu.memory_space<vmem>> -> memref<32x768xf32, #tpu.memory_space<vmem>>
    %dma_start3A_22 = arith.constant 0 : i32
    %dma_start3A_23 = tpu.memref_slice %arg6[%dma_start3A_22] : memref<64xi32, #tpu.memory_space<vmem>> -> memref<32xi32, #tpu.memory_space<vmem>>
    %dma_start3A_24 = arith.constant 0 : i32
    %dma_start3A_25 = arith.constant 0 : i32
    %dma_start3A_26 = tpu.memref_slice %arg2[%dma_start3A_24, %dma_start3A_25] : memref<12288x768xf32, #tpu.memory_space<hbm>> -> memref<12288x768xf32, #tpu.memory_space<hbm>>
    tpu.enqueue_indirect_dma source(%dma_start3A_26 : memref<12288x768xf32, #tpu.memory_space<hbm>>) target(%dma_start3A_21 : memref<32x768xf32, #tpu.memory_space<vmem>>) offsets(%dma_start3A_23 : memref<32xi32, #tpu.memory_space<vmem>>) semaphore(%arg10 : memref<!tpu.dma_semaphore, #tpu.memory_space<semaphore_mem>>)
    %dma_start3A_27 = arith.constant 32 : i32
    %dma_start3A_28 = arith.constant 0 : i32
    %dma_start3A_29 = tpu.memref_slice %arg7[%dma_start3A_27, %dma_start3A_28] : memref<64x768xf32, #tpu.memory_space<vmem>> -> memref<32x768xf32, #tpu.memory_space<vmem>>
    %dma_start3A_30 = arith.constant 32 : i32
    %dma_start3A_31 = tpu.memref_slice %arg5[%dma_start3A_30] : memref<64xi32, #tpu.memory_space<vmem>> -> memref<32xi32, #tpu.memory_space<vmem>>
    %dma_start3A_32 = arith.constant 0 : i32
    %dma_start3A_33 = arith.constant 0 : i32
    %dma_start3A_34 = tpu.memref_slice %arg2[%dma_start3A_32, %dma_start3A_33] : memref<12288x768xf32, #tpu.memory_space<hbm>> -> memref<12288x768xf32, #tpu.memory_space<hbm>>
    tpu.enqueue_indirect_dma source(%dma_start3A_34 : memref<12288x768xf32, #tpu.memory_space<hbm>>) target(%dma_start3A_29 : memref<32x768xf32, #tpu.memory_space<vmem>>) offsets(%dma_start3A_31 : memref<32xi32, #tpu.memory_space<vmem>>) semaphore(%arg11 : memref<!tpu.dma_semaphore, #tpu.memory_space<semaphore_mem>>)
    %dma_start3A_35 = arith.constant 32 : i32
    %dma_start3A_36 = arith.constant 0 : i32
    %dma_start3A_37 = tpu.memref_slice %arg8[%dma_start3A_35, %dma_start3A_36] : memref<64x768xf32, #tpu.memory_space<vmem>> -> memref<32x768xf32, #tpu.memory_space<vmem>>
    %dma_start3A_38 = arith.constant 32 : i32
    %dma_start3A_39 = tpu.memref_slice %arg6[%dma_start3A_38] : memref<64xi32, #tpu.memory_space<vmem>> -> memref<32xi32, #tpu.memory_space<vmem>>
    %dma_start3A_40 = arith.constant 0 : i32
    %dma_start3A_41 = arith.constant 0 : i32
    %dma_start3A_42 = tpu.memref_slice %arg2[%dma_start3A_40, %dma_start3A_41] : memref<12288x768xf32, #tpu.memory_space<hbm>> -> memref<12288x768xf32, #tpu.memory_space<hbm>>
    tpu.enqueue_indirect_dma source(%dma_start3A_42 : memref<12288x768xf32, #tpu.memory_space<hbm>>) target(%dma_start3A_37 : memref<32x768xf32, #tpu.memory_space<vmem>>) offsets(%dma_start3A_39 : memref<32xi32, #tpu.memory_space<vmem>>) semaphore(%arg12 : memref<!tpu.dma_semaphore, #tpu.memory_space<semaphore_mem>>)
    %dma_wait3A_43 = arith.constant 0 : i32
    %dma_wait3A_44 = arith.constant 0 : i32
    %dma_wait3A_45 = tpu.memref_slice %arg7[%dma_wait3A_43, %dma_wait3A_44] : memref<64x768xf32, #tpu.memory_space<vmem>> -> memref<32x768xf32, #tpu.memory_space<vmem>>
    %dma_wait3A_46 = arith.constant 0 : i32
    %dma_wait3A_47 = tpu.memref_slice %arg5[%dma_wait3A_46] : memref<64xi32, #tpu.memory_space<vmem>> -> memref<32xi32, #tpu.memory_space<vmem>>
    %dma_wait3A_48 = arith.constant 0 : i32
    %dma_wait3A_49 = arith.constant 0 : i32
    %dma_wait3A_50 = tpu.memref_slice %arg2[%dma_wait3A_48, %dma_wait3A_49] : memref<12288x768xf32, #tpu.memory_space<hbm>> -> memref<12288x768xf32, #tpu.memory_space<hbm>>
    tpu.wait_indirect_dma semaphore(%arg9 : memref<!tpu.dma_semaphore, #tpu.memory_space<semaphore_mem>>) src(%dma_wait3A_50 : memref<12288x768xf32, #tpu.memory_space<hbm>>) dst(%dma_wait3A_45 : memref<32x768xf32, #tpu.memory_space<vmem>>)
    %dma_wait3A_51 = arith.constant 0 : i32
    %dma_wait3A_52 = arith.constant 0 : i32
    %dma_wait3A_53 = tpu.memref_slice %arg8[%dma_wait3A_51, %dma_wait3A_52] : memref<64x768xf32, #tpu.memory_space<vmem>> -> memref<32x768xf32, #tpu.memory_space<vmem>>
    %dma_wait3A_54 = arith.constant 0 : i32
    %dma_wait3A_55 = tpu.memref_slice %arg6[%dma_wait3A_54] : memref<64xi32, #tpu.memory_space<vmem>> -> memref<32xi32, #tpu.memory_space<vmem>>
    %dma_wait3A_56 = arith.constant 0 : i32
    %dma_wait3A_57 = arith.constant 0 : i32
    %dma_wait3A_58 = tpu.memref_slice %arg2[%dma_wait3A_56, %dma_wait3A_57] : memref<12288x768xf32, #tpu.memory_space<hbm>> -> memref<12288x768xf32, #tpu.memory_space<hbm>>
    tpu.wait_indirect_dma semaphore(%arg10 : memref<!tpu.dma_semaphore, #tpu.memory_space<semaphore_mem>>) src(%dma_wait3A_58 : memref<12288x768xf32, #tpu.memory_space<hbm>>) dst(%dma_wait3A_53 : memref<32x768xf32, #tpu.memory_space<vmem>>)
    %scan3A = arith.constant 0 : i32
    %scan3A_59 = arith.constant 32 : i32
    %scan3A_60 = arith.addi %scan3A, %scan3A_59 : i32
    %scan3A_61 = arith.constant 1 : i32
    scf.for %scan3A_126 = %scan3A to %scan3A_60 step %scan3A_61  : i32 {
      %mul3A_127 = arith.constant 1 : i32
      %mul3A_128 = arith.muli %scan3A_126, %mul3A_127 : i32
      %add3A_129 = arith.constant 0 : i32
      %add3A_130 = arith.addi %add3A_129, %mul3A_128 : i32
      %scan3A_131 = arith.constant 0 : i32
      %scan3A_132 = arith.constant 48 : i32
      %scan3A_133 = arith.addi %scan3A_131, %scan3A_132 : i32
      %scan3A_134 = arith.constant 1 : i32
      scf.for %scan3A_136 = %scan3A_131 to %scan3A_133 step %scan3A_134  : i32 {
        %mul3A_137 = arith.constant 16 : i32
        %mul3A_138 = arith.muli %scan3A_136, %mul3A_137 : i32
        %add3A_139 = arith.constant 0 : i32
        %add3A_140 = arith.addi %add3A_139, %mul3A_138 : i32
        %get3A = arith.index_cast %add3A_130 : i32 to index
        %get3A_141 = arith.index_cast %add3A_140 : i32 to index
        %get3A_142 = tpu.vector_load %arg8[%get3A, %get3A_141] {strides = array<i32>} : memref<64x768xf32, #tpu.memory_space<vmem>>, vector<1x16xf32>,
        %get3A_143 = vector.shape_cast %get3A_142 : vector<1x16xf32> to vector<16xf32>
        %swap3A = arith.index_cast %add3A_130 : i32 to index
        %swap3A_144 = arith.index_cast %add3A_140 : i32 to index
        %swap3A_145 = tpu.vector_load %arg7[%swap3A, %swap3A_144] {strides = array<i32>} : memref<64x768xf32, #tpu.memory_space<vmem>>, vector<1x16xf32>,
        %swap3A_146 = vector.shape_cast %swap3A_145 : vector<1x16xf32> to vector<16xf32>
        %swap3A_147 = vector.shape_cast %get3A_143 : vector<16xf32> to vector<1x16xf32>
        tpu.vector_store %arg7[%swap3A, %swap3A_144], %swap3A_147 {add = true, strides = array<i32>} : memref<64x768xf32, #tpu.memory_space<vmem>>, vector<1x16xf32>,
      }
      %scan3A_135 = arith.constant 48 : i32
    }
    %scan3A_62 = arith.constant 32 : i32
    %dma_start3A_63 = arith.constant 0 : i32
    %dma_start3A_64 = arith.constant 0 : i32
    %dma_start3A_65 = tpu.memref_slice %arg7[%dma_start3A_63, %dma_start3A_64] : memref<64x768xf32, #tpu.memory_space<vmem>> -> memref<32x768xf32, #tpu.memory_space<vmem>>
    %dma_start3A_66 = arith.constant 0 : i32
    %dma_start3A_67 = tpu.memref_slice %arg4[%mul3A_2, %dma_start3A_66] : memref<2048x768xf32, #tpu.memory_space<hbm>> -> memref<32x768xf32, #tpu.memory_space<hbm>>
    %dma_start3A_68 = arith.constant 0 : i32
    %dma_start3A_69 = tpu.memref_slice %arg4[%mul3A_2, %dma_start3A_68] : memref<2048x768xf32, #tpu.memory_space<hbm>> -> memref<32x768xf32, #tpu.memory_space<hbm>>
    %dma_start3A_70 = arith.constant 0 : i32
    %dma_start3A_71 = arith.constant 0 : i32
    %dma_start3A_72 = tpu.memref_slice %arg7[%dma_start3A_70, %dma_start3A_71] : memref<64x768xf32, #tpu.memory_space<vmem>> -> memref<32x768xf32, #tpu.memory_space<vmem>>
    tpu.enqueue_dma source(%dma_start3A_72 : memref<32x768xf32, #tpu.memory_space<vmem>>) target(%dma_start3A_69 : memref<32x768xf32, #tpu.memory_space<hbm>>) target_semaphore(%arg9 : memref<!tpu.dma_semaphore, #tpu.memory_space<semaphore_mem>>)
    %dma_wait3A_73 = arith.constant 32 : i32
    %dma_wait3A_74 = arith.constant 0 : i32
    %dma_wait3A_75 = tpu.memref_slice %arg7[%dma_wait3A_73, %dma_wait3A_74] : memref<64x768xf32, #tpu.memory_space<vmem>> -> memref<32x768xf32, #tpu.memory_space<vmem>>
    %dma_wait3A_76 = arith.constant 32 : i32
    %dma_wait3A_77 = tpu.memref_slice %arg5[%dma_wait3A_76] : memref<64xi32, #tpu.memory_space<vmem>> -> memref<32xi32, #tpu.memory_space<vmem>>
    %dma_wait3A_78 = arith.constant 0 : i32
    %dma_wait3A_79 = arith.constant 0 : i32
    %dma_wait3A_80 = tpu.memref_slice %arg2[%dma_wait3A_78, %dma_wait3A_79] : memref<12288x768xf32, #tpu.memory_space<hbm>> -> memref<12288x768xf32, #tpu.memory_space<hbm>>
    tpu.wait_indirect_dma semaphore(%arg11 : memref<!tpu.dma_semaphore, #tpu.memory_space<semaphore_mem>>) src(%dma_wait3A_80 : memref<12288x768xf32, #tpu.memory_space<hbm>>) dst(%dma_wait3A_75 : memref<32x768xf32, #tpu.memory_space<vmem>>)
    %dma_wait3A_81 = arith.constant 32 : i32
    %dma_wait3A_82 = arith.constant 0 : i32
    %dma_wait3A_83 = tpu.memref_slice %arg8[%dma_wait3A_81, %dma_wait3A_82] : memref<64x768xf32, #tpu.memory_space<vmem>> -> memref<32x768xf32, #tpu.memory_space<vmem>>
    %dma_wait3A_84 = arith.constant 32 : i32
    %dma_wait3A_85 = tpu.memref_slice %arg6[%dma_wait3A_84] : memref<64xi32, #tpu.memory_space<vmem>> -> memref<32xi32, #tpu.memory_space<vmem>>
    %dma_wait3A_86 = arith.constant 0 : i32
    %dma_wait3A_87 = arith.constant 0 : i32
    %dma_wait3A_88 = tpu.memref_slice %arg2[%dma_wait3A_86, %dma_wait3A_87] : memref<12288x768xf32, #tpu.memory_space<hbm>> -> memref<12288x768xf32, #tpu.memory_space<hbm>>
    tpu.wait_indirect_dma semaphore(%arg12 : memref<!tpu.dma_semaphore, #tpu.memory_space<semaphore_mem>>) src(%dma_wait3A_88 : memref<12288x768xf32, #tpu.memory_space<hbm>>) dst(%dma_wait3A_83 : memref<32x768xf32, #tpu.memory_space<vmem>>)
    %scan3A_89 = arith.constant 0 : i32
    %scan3A_90 = arith.constant 32 : i32
    %scan3A_91 = arith.addi %scan3A_89, %scan3A_90 : i32
    %scan3A_92 = arith.constant 1 : i32
    scf.for %scan3A_126 = %scan3A_89 to %scan3A_91 step %scan3A_92  : i32 {
      %mul3A_127 = arith.constant 1 : i32
      %mul3A_128 = arith.muli %scan3A_126, %mul3A_127 : i32
      %add3A_129 = arith.constant 32 : i32
      %add3A_130 = arith.addi %add3A_129, %mul3A_128 : i32
      %scan3A_131 = arith.constant 0 : i32
      %scan3A_132 = arith.constant 48 : i32
      %scan3A_133 = arith.addi %scan3A_131, %scan3A_132 : i32
      %scan3A_134 = arith.constant 1 : i32
      scf.for %scan3A_136 = %scan3A_131 to %scan3A_133 step %scan3A_134  : i32 {
        %mul3A_137 = arith.constant 16 : i32
        %mul3A_138 = arith.muli %scan3A_136, %mul3A_137 : i32
        %add3A_139 = arith.constant 0 : i32
        %add3A_140 = arith.addi %add3A_139, %mul3A_138 : i32
        %get3A = arith.index_cast %add3A_130 : i32 to index
        %get3A_141 = arith.index_cast %add3A_140 : i32 to index
        %get3A_142 = tpu.vector_load %arg8[%get3A, %get3A_141] {strides = array<i32>} : memref<64x768xf32, #tpu.memory_space<vmem>>, vector<1x16xf32>,
        %get3A_143 = vector.shape_cast %get3A_142 : vector<1x16xf32> to vector<16xf32>
        %swap3A = arith.index_cast %add3A_130 : i32 to index
        %swap3A_144 = arith.index_cast %add3A_140 : i32 to index
        %swap3A_145 = tpu.vector_load %arg7[%swap3A, %swap3A_144] {strides = array<i32>} : memref<64x768xf32, #tpu.memory_space<vmem>>, vector<1x16xf32>,
        %swap3A_146 = vector.shape_cast %swap3A_145 : vector<1x16xf32> to vector<16xf32>
        %swap3A_147 = vector.shape_cast %get3A_143 : vector<16xf32> to vector<1x16xf32>
        tpu.vector_store %arg7[%swap3A, %swap3A_144], %swap3A_147 {add = true, strides = array<i32>} : memref<64x768xf32, #tpu.memory_space<vmem>>, vector<1x16xf32>,
      }
      %scan3A_135 = arith.constant 48 : i32
    }
    %scan3A_93 = arith.constant 32 : i32
    %add3A_94 = arith.constant 32 : i32
    %add3A_95 = arith.addi %mul3A_2, %add3A_94 : i32
    %dma_start3A_96 = arith.constant 32 : i32
    %dma_start3A_97 = arith.constant 0 : i32
    %dma_start3A_98 = tpu.memref_slice %arg7[%dma_start3A_96, %dma_start3A_97] : memref<64x768xf32, #tpu.memory_space<vmem>> -> memref<32x768xf32, #tpu.memory_space<vmem>>
    %dma_start3A_99 = arith.constant 0 : i32
    %dma_start3A_100 = tpu.memref_slice %arg4[%add3A_95, %dma_start3A_99] : memref<2048x768xf32, #tpu.memory_space<hbm>> -> memref<32x768xf32, #tpu.memory_space<hbm>>
    %dma_start3A_101 = arith.constant 0 : i32
    %dma_start3A_102 = tpu.memref_slice %arg4[%add3A_95, %dma_start3A_101] : memref<2048x768xf32, #tpu.memory_space<hbm>> -> memref<32x768xf32, #tpu.memory_space<hbm>>
    %dma_start3A_103 = arith.constant 32 : i32
    %dma_start3A_104 = arith.constant 0 : i32
    %dma_start3A_105 = tpu.memref_slice %arg7[%dma_start3A_103, %dma_start3A_104] : memref<64x768xf32, #tpu.memory_space<vmem>> -> memref<32x768xf32, #tpu.memory_space<vmem>>
    tpu.enqueue_dma source(%dma_start3A_105 : memref<32x768xf32, #tpu.memory_space<vmem>>) target(%dma_start3A_102 : memref<32x768xf32, #tpu.memory_space<hbm>>) target_semaphore(%arg10 : memref<!tpu.dma_semaphore, #tpu.memory_space<semaphore_mem>>)
    %dma_wait3A_106 = arith.constant 0 : i32
    %dma_wait3A_107 = arith.constant 0 : i32
    %dma_wait3A_108 = tpu.memref_slice %arg7[%dma_wait3A_106, %dma_wait3A_107] : memref<64x768xf32, #tpu.memory_space<vmem>> -> memref<32x768xf32, #tpu.memory_space<vmem>>
    %dma_wait3A_109 = arith.constant 0 : i32
    %dma_wait3A_110 = tpu.memref_slice %arg4[%mul3A_2, %dma_wait3A_109] : memref<2048x768xf32, #tpu.memory_space<hbm>> -> memref<32x768xf32, #tpu.memory_space<hbm>>
    %dma_wait3A_111 = arith.constant 0 : i32
    %dma_wait3A_112 = tpu.memref_slice %arg4[%mul3A_2, %dma_wait3A_111] : memref<2048x768xf32, #tpu.memory_space<hbm>> -> memref<32x768xf32, #tpu.memory_space<hbm>>
    %dma_wait3A_113 = arith.constant 0 : i32
    %dma_wait3A_114 = arith.constant 0 : i32
    %dma_wait3A_115 = tpu.memref_slice %arg7[%dma_wait3A_113, %dma_wait3A_114] : memref<64x768xf32, #tpu.memory_space<vmem>> -> memref<32x768xf32, #tpu.memory_space<vmem>>
    tpu.wait_dma2 semaphore(%arg9 : memref<!tpu.dma_semaphore, #tpu.memory_space<semaphore_mem>>) src(%dma_wait3A_115 : memref<32x768xf32, #tpu.memory_space<vmem>>) dst(%dma_wait3A_112 : memref<32x768xf32, #tpu.memory_space<hbm>>)
    %dma_wait3A_116 = arith.constant 32 : i32
    %dma_wait3A_117 = arith.constant 0 : i32
    %dma_wait3A_118 = tpu.memref_slice %arg7[%dma_wait3A_116, %dma_wait3A_117] : memref<64x768xf32, #tpu.memory_space<vmem>> -> memref<32x768xf32, #tpu.memory_space<vmem>>
    %dma_wait3A_119 = arith.constant 0 : i32
    %dma_wait3A_120 = tpu.memref_slice %arg4[%add3A_95, %dma_wait3A_119] : memref<2048x768xf32, #tpu.memory_space<hbm>> -> memref<32x768xf32, #tpu.memory_space<hbm>>
    %dma_wait3A_121 = arith.constant 0 : i32
    %dma_wait3A_122 = tpu.memref_slice %arg4[%add3A_95, %dma_wait3A_121] : memref<2048x768xf32, #tpu.memory_space<hbm>> -> memref<32x768xf32, #tpu.memory_space<hbm>>
    %dma_wait3A_123 = arith.constant 32 : i32
    %dma_wait3A_124 = arith.constant 0 : i32
    %dma_wait3A_125 = tpu.memref_slice %arg7[%dma_wait3A_123, %dma_wait3A_124] : memref<64x768xf32, #tpu.memory_space<vmem>> -> memref<32x768xf32, #tpu.memory_space<vmem>>
    tpu.wait_dma2 semaphore(%arg10 : memref<!tpu.dma_semaphore, #tpu.memory_space<semaphore_mem>>) src(%dma_wait3A_125 : memref<32x768xf32, #tpu.memory_space<vmem>>) dst(%dma_wait3A_122 : memref<32x768xf32, #tpu.memory_space<hbm>>)
    return
  }
}

module attributes {stable_mosaic.version = 14 : i64} {
  func.func @_route_body(%arg0: memref<2048x768xf32, #tpu.memory_space<vmem>>, %arg1: memref<768x64xf32, #tpu.memory_space<vmem>>, %arg2: memref<32x128xi32, #tpu.memory_space<vmem>>, %arg3: memref<4096x128xf32, #tpu.memory_space<vmem>>, %arg4: memref<97xi32, #tpu.memory_space<vmem>>) attributes {dimension_semantics = [], scalar_prefetch = 0 : i64, scratch_operands = 0 : i64, tpu.core_type = #tpu.core_type<tc>} {
    %get3A = arith.constant 0 : index
    %get3A_0 = arith.constant 0 : index
    %get3A_1 = vector.load %arg0[%get3A, %get3A_0] : memref<2048x768xf32, #tpu.memory_space<vmem>>, vector<2048x768xf32>
    %get3A_2 = arith.constant 0 : index
    %get3A_3 = arith.constant 0 : index
    %get3A_4 = vector.load %arg1[%get3A_2, %get3A_3] : memref<768x64xf32, #tpu.memory_space<vmem>>, vector<768x64xf32>
    %dot_general3A = arith.constant dense<0.000000e+00> : vector<2048x64xf32>
    %dot_general3A_5 = tpu.matmul %get3A_1, %get3A_4, %dot_general3A {dimension_numbers = #tpu.dot_dimension_numbers<[1], [0], [0], [1], [0, 0, 1, 1], [], []>, transpose_lhs_hint = false} : vector<2048x768xf32>, vector<768x64xf32>, vector<2048x64xf32> -> vector<2048x64xf32>
    %iota3A = tpu.iota {dimensions = array<i32: 1>} : vector<2048x64xi32>
    %reduce_max3A = arith.constant dense<0xFF800000> : vector<2048xf32>
    %reduce_max3A_6 = vector.multi_reduction <maximumf>, %dot_general3A_5, %reduce_max3A [1] : vector<2048x64xf32> to vector<2048xf32>
    %broadcast_in_dim3A = vector.shape_cast %reduce_max3A_6 : vector<2048xf32> to vector<2048x1xf32>
    %eq3A = vector.broadcast %broadcast_in_dim3A : vector<2048x1xf32> to vector<2048x64xf32>
    %eq3A_7 = arith.cmpf oeq, %dot_general3A_5, %eq3A : vector<2048x64xf32>
    %jit3A = arith.constant 64 : i32
    %broadcast_in_dim3A_8 = vector.broadcast %jit3A : i32 to vector<2048x64xi32>
    %select_n3A = arith.select %eq3A_7, %iota3A, %broadcast_in_dim3A_8 : vector<2048x64xi1>, vector<2048x64xi32>
    %reduce_min3A = arith.constant dense<2147483647> : vector<2048xi32>
    %reduce_min3A_9 = vector.multi_reduction <minsi>, %select_n3A, %reduce_min3A [1] : vector<2048x64xi32> to vector<2048xi32>
    %broadcast_in_dim3A_10 = vector.shape_cast %reduce_min3A_9 : vector<2048xi32> to vector<2048x1xi32>
    %eq3A_11 = vector.broadcast %broadcast_in_dim3A_10 : vector<2048x1xi32> to vector<2048x64xi32>
    %eq3A_12 = arith.cmpi eq, %iota3A, %eq3A_11 : vector<2048x64xi32>
    %convert_element_type3A = arith.extui %eq3A_12 : vector<2048x64xi1> to vector<2048x64xi32>
    %convert_element_type3A_13 = arith.sitofp %convert_element_type3A : vector<2048x64xi32> to vector<2048x64xf32>
    %jit3A_14 = arith.constant 0xFF800000 : f32
    %broadcast_in_dim3A_15 = vector.broadcast %jit3A_14 : f32 to vector<2048x64xf32>
    %select_n3A_16 = arith.select %eq3A_12, %broadcast_in_dim3A_15, %dot_general3A_5 : vector<2048x64xi1>, vector<2048x64xf32>
    %reduce_max3A_17 = arith.constant dense<0xFF800000> : vector<2048xf32>
    %reduce_max3A_18 = vector.multi_reduction <maximumf>, %select_n3A_16, %reduce_max3A_17 [1] : vector<2048x64xf32> to vector<2048xf32>
    %broadcast_in_dim3A_19 = vector.shape_cast %reduce_max3A_18 : vector<2048xf32> to vector<2048x1xf32>
    %eq3A_20 = vector.broadcast %broadcast_in_dim3A_19 : vector<2048x1xf32> to vector<2048x64xf32>
    %eq3A_21 = arith.cmpf oeq, %select_n3A_16, %eq3A_20 : vector<2048x64xf32>
    %jit3A_22 = arith.constant 64 : i32
    %broadcast_in_dim3A_23 = vector.broadcast %jit3A_22 : i32 to vector<2048x64xi32>
    %select_n3A_24 = arith.select %eq3A_21, %iota3A, %broadcast_in_dim3A_23 : vector<2048x64xi1>, vector<2048x64xi32>
    %reduce_min3A_25 = arith.constant dense<2147483647> : vector<2048xi32>
    %reduce_min3A_26 = vector.multi_reduction <minsi>, %select_n3A_24, %reduce_min3A_25 [1] : vector<2048x64xi32> to vector<2048xi32>
    %broadcast_in_dim3A_27 = vector.shape_cast %reduce_min3A_26 : vector<2048xi32> to vector<2048x1xi32>
    %eq3A_28 = vector.broadcast %broadcast_in_dim3A_27 : vector<2048x1xi32> to vector<2048x64xi32>
    %eq3A_29 = arith.cmpi eq, %iota3A, %eq3A_28 : vector<2048x64xi32>
    %convert_element_type3A_30 = arith.extui %eq3A_29 : vector<2048x64xi1> to vector<2048x64xi32>
    %convert_element_type3A_31 = arith.sitofp %convert_element_type3A_30 : vector<2048x64xi32> to vector<2048x64xf32>
    %sub3A = arith.subf %broadcast_in_dim3A_19, %broadcast_in_dim3A : vector<2048x1xf32>
    %exp3A = math.exp %sub3A : vector<2048x1xf32>
    %add3A = arith.constant 1.000000e+00 : f32
    %add3A_32 = vector.broadcast %add3A : f32 to vector<2048x1xf32>
    %add3A_33 = arith.addf %add3A_32, %exp3A : vector<2048x1xf32>
    %div3A = arith.constant 1.000000e+00 : f32
    %div3A_34 = vector.broadcast %div3A : f32 to vector<2048x1xf32>
    %div3A_35 = arith.divf %div3A_34, %add3A_33 : vector<2048x1xf32>
    %sub3A_36 = arith.constant 1.000000e+00 : f32
    %sub3A_37 = vector.broadcast %sub3A_36 : f32 to vector<2048x1xf32>
    %sub3A_38 = arith.subf %sub3A_37, %div3A_35 : vector<2048x1xf32>
    %concatenate3A = tpu.concatenate %convert_element_type3A_13, %convert_element_type3A_31 in 1 : vector<2048x64xf32>, vector<2048x64xf32> -> vector<2048x128xf32>
    %broadcast_in_dim3A_39 = arith.constant 0.000000e+00 : f32
    %broadcast_in_dim3A_40 = vector.broadcast %broadcast_in_dim3A_39 : f32 to vector<1x128xf32>
    %slice3A = vector.extract_strided_slice %concatenate3A {offsets = [0, 0], sizes = [2047, 128], strides = [1, 1]} : vector<2048x128xf32> to vector<2047x128xf32>
    %concatenate3A_41 = tpu.concatenate %broadcast_in_dim3A_40, %slice3A in 0 : vector<1x128xf32>, vector<2047x128xf32> -> vector<2048x128xf32>
    %add3A_42 = arith.addf %concatenate3A, %concatenate3A_41 : vector<2048x128xf32>
    %broadcast_in_dim3A_43 = arith.constant 0.000000e+00 : f32
    %broadcast_in_dim3A_44 = vector.broadcast %broadcast_in_dim3A_43 : f32 to vector<2x128xf32>
    %slice3A_45 = vector.extract_strided_slice %add3A_42 {offsets = [0, 0], sizes = [2046, 128], strides = [1, 1]} : vector<2048x128xf32> to vector<2046x128xf32>
    %concatenate3A_46 = tpu.concatenate %broadcast_in_dim3A_44, %slice3A_45 in 0 : vector<2x128xf32>, vector<2046x128xf32> -> vector<2048x128xf32>
    %add3A_47 = arith.addf %add3A_42, %concatenate3A_46 : vector<2048x128xf32>
    %broadcast_in_dim3A_48 = arith.constant 0.000000e+00 : f32
    %broadcast_in_dim3A_49 = vector.broadcast %broadcast_in_dim3A_48 : f32 to vector<4x128xf32>
    %slice3A_50 = vector.extract_strided_slice %add3A_47 {offsets = [0, 0], sizes = [2044, 128], strides = [1, 1]} : vector<2048x128xf32> to vector<2044x128xf32>
    %concatenate3A_51 = tpu.concatenate %broadcast_in_dim3A_49, %slice3A_50 in 0 : vector<4x128xf32>, vector<2044x128xf32> -> vector<2048x128xf32>
    %add3A_52 = arith.addf %add3A_47, %concatenate3A_51 : vector<2048x128xf32>
    %broadcast_in_dim3A_53 = arith.constant 0.000000e+00 : f32
    %broadcast_in_dim3A_54 = vector.broadcast %broadcast_in_dim3A_53 : f32 to vector<8x128xf32>
    %slice3A_55 = vector.extract_strided_slice %add3A_52 {offsets = [0, 0], sizes = [2040, 128], strides = [1, 1]} : vector<2048x128xf32> to vector<2040x128xf32>
    %concatenate3A_56 = tpu.concatenate %broadcast_in_dim3A_54, %slice3A_55 in 0 : vector<8x128xf32>, vector<2040x128xf32> -> vector<2048x128xf32>
    %add3A_57 = arith.addf %add3A_52, %concatenate3A_56 : vector<2048x128xf32>
    %broadcast_in_dim3A_58 = arith.constant 0.000000e+00 : f32
    %broadcast_in_dim3A_59 = vector.broadcast %broadcast_in_dim3A_58 : f32 to vector<16x128xf32>
    %slice3A_60 = vector.extract_strided_slice %add3A_57 {offsets = [0, 0], sizes = [2032, 128], strides = [1, 1]} : vector<2048x128xf32> to vector<2032x128xf32>
    %concatenate3A_61 = tpu.concatenate %broadcast_in_dim3A_59, %slice3A_60 in 0 : vector<16x128xf32>, vector<2032x128xf32> -> vector<2048x128xf32>
    %add3A_62 = arith.addf %add3A_57, %concatenate3A_61 : vector<2048x128xf32>
    %broadcast_in_dim3A_63 = arith.constant 0.000000e+00 : f32
    %broadcast_in_dim3A_64 = vector.broadcast %broadcast_in_dim3A_63 : f32 to vector<32x128xf32>
    %slice3A_65 = vector.extract_strided_slice %add3A_62 {offsets = [0, 0], sizes = [2016, 128], strides = [1, 1]} : vector<2048x128xf32> to vector<2016x128xf32>
    %concatenate3A_66 = tpu.concatenate %broadcast_in_dim3A_64, %slice3A_65 in 0 : vector<32x128xf32>, vector<2016x128xf32> -> vector<2048x128xf32>
    %add3A_67 = arith.addf %add3A_62, %concatenate3A_66 : vector<2048x128xf32>
    %broadcast_in_dim3A_68 = arith.constant 0.000000e+00 : f32
    %broadcast_in_dim3A_69 = vector.broadcast %broadcast_in_dim3A_68 : f32 to vector<64x128xf32>
    %slice3A_70 = vector.extract_strided_slice %add3A_67 {offsets = [0, 0], sizes = [1984, 128], strides = [1, 1]} : vector<2048x128xf32> to vector<1984x128xf32>
    %concatenate3A_71 = tpu.concatenate %broadcast_in_dim3A_69, %slice3A_70 in 0 : vector<64x128xf32>, vector<1984x128xf32> -> vector<2048x128xf32>
    %add3A_72 = arith.addf %add3A_67, %concatenate3A_71 : vector<2048x128xf32>
    %broadcast_in_dim3A_73 = arith.constant 0.000000e+00 : f32
    %broadcast_in_dim3A_74 = vector.broadcast %broadcast_in_dim3A_73 : f32 to vector<128x128xf32>
    %slice3A_75 = vector.extract_strided_slice %add3A_72 {offsets = [0, 0], sizes = [1920, 128], strides = [1, 1]} : vector<2048x128xf32> to vector<1920x128xf32>
    %concatenate3A_76 = tpu.concatenate %broadcast_in_dim3A_74, %slice3A_75 in 0 : vector<128x128xf32>, vector<1920x128xf32> -> vector<2048x128xf32>
    %add3A_77 = arith.addf %add3A_72, %concatenate3A_76 : vector<2048x128xf32>
    %broadcast_in_dim3A_78 = arith.constant 0.000000e+00 : f32
    %broadcast_in_dim3A_79 = vector.broadcast %broadcast_in_dim3A_78 : f32 to vector<256x128xf32>
    %slice3A_80 = vector.extract_strided_slice %add3A_77 {offsets = [0, 0], sizes = [1792, 128], strides = [1, 1]} : vector<2048x128xf32> to vector<1792x128xf32>
    %concatenate3A_81 = tpu.concatenate %broadcast_in_dim3A_79, %slice3A_80 in 0 : vector<256x128xf32>, vector<1792x128xf32> -> vector<2048x128xf32>
    %add3A_82 = arith.addf %add3A_77, %concatenate3A_81 : vector<2048x128xf32>
    %broadcast_in_dim3A_83 = arith.constant 0.000000e+00 : f32
    %broadcast_in_dim3A_84 = vector.broadcast %broadcast_in_dim3A_83 : f32 to vector<512x128xf32>
    %slice3A_85 = vector.extract_strided_slice %add3A_82 {offsets = [0, 0], sizes = [1536, 128], strides = [1, 1]} : vector<2048x128xf32> to vector<1536x128xf32>
    %concatenate3A_86 = tpu.concatenate %broadcast_in_dim3A_84, %slice3A_85 in 0 : vector<512x128xf32>, vector<1536x128xf32> -> vector<2048x128xf32>
    %add3A_87 = arith.addf %add3A_82, %concatenate3A_86 : vector<2048x128xf32>
    %broadcast_in_dim3A_88 = arith.constant 0.000000e+00 : f32
    %broadcast_in_dim3A_89 = vector.broadcast %broadcast_in_dim3A_88 : f32 to vector<1024x128xf32>
    %slice3A_90 = vector.extract_strided_slice %add3A_87 {offsets = [0, 0], sizes = [1024, 128], strides = [1, 1]} : vector<2048x128xf32> to vector<1024x128xf32>
    %concatenate3A_91 = tpu.concatenate %broadcast_in_dim3A_89, %slice3A_90 in 0 : vector<1024x128xf32>, vector<1024x128xf32> -> vector<2048x128xf32>
    %add3A_92 = arith.addf %add3A_87, %concatenate3A_91 : vector<2048x128xf32>
    %slice3A_93 = vector.extract_strided_slice %add3A_92 {offsets = [0, 0], sizes = [2048, 64], strides = [1, 1]} : vector<2048x128xf32> to vector<2048x64xf32>
    %slice3A_94 = vector.extract_strided_slice %add3A_92 {offsets = [0, 64], sizes = [2048, 64], strides = [1, 1]} : vector<2048x128xf32> to vector<2048x64xf32>
    %slice3A_95 = vector.extract_strided_slice %slice3A_93 {offsets = [2047, 0], sizes = [1, 64], strides = [1, 1]} : vector<2048x64xf32> to vector<1x64xf32>
    %slice3A_96 = vector.extract_strided_slice %slice3A_94 {offsets = [2047, 0], sizes = [1, 64], strides = [1, 1]} : vector<2048x64xf32> to vector<1x64xf32>
    %sub3A_97 = arith.subf %slice3A_93, %convert_element_type3A_13 : vector<2048x64xf32>
    %mul3A = arith.mulf %sub3A_97, %convert_element_type3A_13 : vector<2048x64xf32>
    %reduce_sum3A = arith.constant dense<0.000000e+00> : vector<2048xf32>
    %reduce_sum3A_98 = vector.multi_reduction <add>, %mul3A, %reduce_sum3A [1] : vector<2048x64xf32> to vector<2048xf32>
    %broadcast_in_dim3A_99 = vector.shape_cast %reduce_sum3A_98 : vector<2048xf32> to vector<2048x1xf32>
    %add3A_100 = vector.broadcast %slice3A_95 : vector<1x64xf32> to vector<2048x64xf32>
    %add3A_101 = arith.addf %add3A_100, %slice3A_94 : vector<2048x64xf32>
    %sub3A_102 = arith.subf %add3A_101, %convert_element_type3A_31 : vector<2048x64xf32>
    %mul3A_103 = arith.mulf %sub3A_102, %convert_element_type3A_31 : vector<2048x64xf32>
    %reduce_sum3A_104 = arith.constant dense<0.000000e+00> : vector<2048xf32>
    %reduce_sum3A_105 = vector.multi_reduction <add>, %mul3A_103, %reduce_sum3A_104 [1] : vector<2048x64xf32> to vector<2048xf32>
    %broadcast_in_dim3A_106 = vector.shape_cast %reduce_sum3A_105 : vector<2048xf32> to vector<2048x1xf32>
    %add3A_107 = arith.addf %slice3A_95, %slice3A_96 : vector<1x64xf32>
    %convert_element_type3A_108 = arith.fptosi %add3A_107 : vector<1x64xf32> to vector<1x64xi32>
    %iota3A_109 = tpu.iota {dimensions = array<i32: 0>} : vector<64x64xi32>
    %iota3A_110 = tpu.iota {dimensions = array<i32: 1>} : vector<64x64xi32>
    %eq3A_111 = arith.cmpi eq, %iota3A_109, %iota3A_110 : vector<64x64xi32>
    %convert_element_type3A_112 = arith.extui %eq3A_111 : vector<64x64xi1> to vector<64x64xi32>
    %mul3A_113 = vector.broadcast %convert_element_type3A_108 : vector<1x64xi32> to vector<64x64xi32>
    %mul3A_114 = arith.muli %convert_element_type3A_112, %mul3A_113 : vector<64x64xi32>
    %reduce_sum3A_115 = arith.constant dense<0> : vector<64xi32>
    %reduce_sum3A_116 = vector.multi_reduction <add>, %mul3A_114, %reduce_sum3A_115 [1] : vector<64x64xi32> to vector<64xi32>
    %broadcast_in_dim3A_117 = vector.shape_cast %reduce_sum3A_116 : vector<64xi32> to vector<64x1xi32>
    %add3A_118 = arith.constant 127 : i32
    %add3A_119 = vector.broadcast %add3A_118 : i32 to vector<64x1xi32>
    %add3A_120 = arith.addi %broadcast_in_dim3A_117, %add3A_119 : vector<64x1xi32>
    %and3A = arith.constant -128 : i32
    %and3A_121 = vector.broadcast %and3A : i32 to vector<64x1xi32>
    %and3A_122 = arith.andi %add3A_120, %and3A_121 : vector<64x1xi32>
    %broadcast_in_dim3A_123 = arith.constant 0 : i32
    %broadcast_in_dim3A_124 = vector.broadcast %broadcast_in_dim3A_123 : i32 to vector<1x1xi32>
    %slice3A_125 = vector.extract_strided_slice %and3A_122 {offsets = [0, 0], sizes = [63, 1], strides = [1, 1]} : vector<64x1xi32> to vector<63x1xi32>
    %concatenate3A_126 = tpu.concatenate %broadcast_in_dim3A_124, %slice3A_125 in 0 : vector<1x1xi32>, vector<63x1xi32> -> vector<64x1xi32>
    %add3A_127 = arith.addi %and3A_122, %concatenate3A_126 : vector<64x1xi32>
    %broadcast_in_dim3A_128 = arith.constant 0 : i32
    %broadcast_in_dim3A_129 = vector.broadcast %broadcast_in_dim3A_128 : i32 to vector<2x1xi32>
    %slice3A_130 = vector.extract_strided_slice %add3A_127 {offsets = [0, 0], sizes = [62, 1], strides = [1, 1]} : vector<64x1xi32> to vector<62x1xi32>
    %concatenate3A_131 = tpu.concatenate %broadcast_in_dim3A_129, %slice3A_130 in 0 : vector<2x1xi32>, vector<62x1xi32> -> vector<64x1xi32>
    %add3A_132 = arith.addi %add3A_127, %concatenate3A_131 : vector<64x1xi32>
    %broadcast_in_dim3A_133 = arith.constant 0 : i32
    %broadcast_in_dim3A_134 = vector.broadcast %broadcast_in_dim3A_133 : i32 to vector<4x1xi32>
    %slice3A_135 = vector.extract_strided_slice %add3A_132 {offsets = [0, 0], sizes = [60, 1], strides = [1, 1]} : vector<64x1xi32> to vector<60x1xi32>
    %concatenate3A_136 = tpu.concatenate %broadcast_in_dim3A_134, %slice3A_135 in 0 : vector<4x1xi32>, vector<60x1xi32> -> vector<64x1xi32>
    %add3A_137 = arith.addi %add3A_132, %concatenate3A_136 : vector<64x1xi32>
    %broadcast_in_dim3A_138 = arith.constant 0 : i32
    %broadcast_in_dim3A_139 = vector.broadcast %broadcast_in_dim3A_138 : i32 to vector<8x1xi32>
    %slice3A_140 = vector.extract_strided_slice %add3A_137 {offsets = [0, 0], sizes = [56, 1], strides = [1, 1]} : vector<64x1xi32> to vector<56x1xi32>
    %concatenate3A_141 = tpu.concatenate %broadcast_in_dim3A_139, %slice3A_140 in 0 : vector<8x1xi32>, vector<56x1xi32> -> vector<64x1xi32>
    %add3A_142 = arith.addi %add3A_137, %concatenate3A_141 : vector<64x1xi32>
    %broadcast_in_dim3A_143 = arith.constant 0 : i32
    %broadcast_in_dim3A_144 = vector.broadcast %broadcast_in_dim3A_143 : i32 to vector<16x1xi32>
    %slice3A_145 = vector.extract_strided_slice %add3A_142 {offsets = [0, 0], sizes = [48, 1], strides = [1, 1]} : vector<64x1xi32> to vector<48x1xi32>
    %concatenate3A_146 = tpu.concatenate %broadcast_in_dim3A_144, %slice3A_145 in 0 : vector<16x1xi32>, vector<48x1xi32> -> vector<64x1xi32>
    %add3A_147 = arith.addi %add3A_142, %concatenate3A_146 : vector<64x1xi32>
    %broadcast_in_dim3A_148 = arith.constant 0 : i32
    %broadcast_in_dim3A_149 = vector.broadcast %broadcast_in_dim3A_148 : i32 to vector<32x1xi32>
    %slice3A_150 = vector.extract_strided_slice %add3A_147 {offsets = [0, 0], sizes = [32, 1], strides = [1, 1]} : vector<64x1xi32> to vector<32x1xi32>
    %concatenate3A_151 = tpu.concatenate %broadcast_in_dim3A_149, %slice3A_150 in 0 : vector<32x1xi32>, vector<32x1xi32> -> vector<64x1xi32>
    %add3A_152 = arith.addi %add3A_147, %concatenate3A_151 : vector<64x1xi32>
    %sub3A_153 = arith.subi %add3A_152, %and3A_122 : vector<64x1xi32>
    %convert_element_type3A_154 = arith.sitofp %convert_element_type3A_112 : vector<64x64xi32> to vector<64x64xf32>
    %convert_element_type3A_155 = arith.sitofp %sub3A_153 : vector<64x1xi32> to vector<64x1xf32>
    %mul3A_156 = vector.broadcast %convert_element_type3A_155 : vector<64x1xf32> to vector<64x64xf32>
    %mul3A_157 = arith.mulf %convert_element_type3A_154, %mul3A_156 : vector<64x64xf32>
    %reduce_sum3A_158 = arith.constant dense<0.000000e+00> : vector<64xf32>
    %reduce_sum3A_159 = vector.multi_reduction <add>, %mul3A_157, %reduce_sum3A_158 [0] : vector<64x64xf32> to vector<64xf32>
    %broadcast_in_dim3A_160 = vector.shape_cast %reduce_sum3A_159 : vector<64xf32> to vector<1x64xf32>
    %mul3A_161 = vector.broadcast %broadcast_in_dim3A_160 : vector<1x64xf32> to vector<2048x64xf32>
    %mul3A_162 = arith.mulf %convert_element_type3A_13, %mul3A_161 : vector<2048x64xf32>
    %reduce_sum3A_163 = arith.constant dense<0.000000e+00> : vector<2048xf32>
    %reduce_sum3A_164 = vector.multi_reduction <add>, %mul3A_162, %reduce_sum3A_163 [1] : vector<2048x64xf32> to vector<2048xf32>
    %broadcast_in_dim3A_165 = vector.shape_cast %reduce_sum3A_164 : vector<2048xf32> to vector<2048x1xf32>
    %add3A_166 = arith.addf %broadcast_in_dim3A_165, %broadcast_in_dim3A_99 : vector<2048x1xf32>
    %mul3A_167 = vector.broadcast %broadcast_in_dim3A_160 : vector<1x64xf32> to vector<2048x64xf32>
    %mul3A_168 = arith.mulf %convert_element_type3A_31, %mul3A_167 : vector<2048x64xf32>
    %reduce_sum3A_169 = arith.constant dense<0.000000e+00> : vector<2048xf32>
    %reduce_sum3A_170 = vector.multi_reduction <add>, %mul3A_168, %reduce_sum3A_169 [1] : vector<2048x64xf32> to vector<2048xf32>
    %broadcast_in_dim3A_171 = vector.shape_cast %reduce_sum3A_170 : vector<2048xf32> to vector<2048x1xf32>
    %add3A_172 = arith.addf %broadcast_in_dim3A_171, %broadcast_in_dim3A_106 : vector<2048x1xf32>
    %concatenate3A_173 = tpu.concatenate %add3A_166, %add3A_172 in 0 : vector<2048x1xf32>, vector<2048x1xf32> -> vector<4096x1xf32>
    %convert_element_type3A_174 = arith.fptosi %concatenate3A_173 : vector<4096x1xf32> to vector<4096x1xi32>
    %reshape3A = vector.shape_cast %convert_element_type3A_174 : vector<4096x1xi32> to vector<32x128xi32>
    %swap3A = arith.constant 0 : index
    %swap3A_175 = arith.constant 0 : index
    %swap3A_176 = vector.load %arg2[%swap3A, %swap3A_175] : memref<32x128xi32, #tpu.memory_space<vmem>>, vector<32x128xi32>
    tpu.vector_store %arg2[%swap3A, %swap3A_175], %reshape3A {strides = array<i32>} : memref<32x128xi32, #tpu.memory_space<vmem>>, vector<32x128xi32>,
    %concatenate3A_177 = tpu.concatenate %div3A_35, %sub3A_38 in 0 : vector<2048x1xf32>, vector<2048x1xf32> -> vector<4096x1xf32>
    %broadcast_in_dim3A_178 = vector.shape_cast %concatenate3A_177 : vector<4096x1xf32> to vector<4096x1xf32>
    %broadcast_in_dim3A_179 = vector.broadcast %broadcast_in_dim3A_178 : vector<4096x1xf32> to vector<4096x128xf32>
    %swap3A_180 = arith.constant 0 : index
    %swap3A_181 = arith.constant 0 : index
    %swap3A_182 = vector.load %arg3[%swap3A_180, %swap3A_181] : memref<4096x128xf32, #tpu.memory_space<vmem>>, vector<4096x128xf32>
    tpu.vector_store %arg3[%swap3A_180, %swap3A_181], %broadcast_in_dim3A_179 {strides = array<i32>} : memref<4096x128xf32, #tpu.memory_space<vmem>>, vector<4096x128xf32>,
    %iota3A_183 = tpu.iota {dimensions = array<i32: 1>} : vector<64x96xi32>
    %mul3A_184 = arith.constant 128 : i32
    %mul3A_185 = vector.broadcast %mul3A_184 : i32 to vector<64x96xi32>
    %mul3A_186 = arith.muli %iota3A_183, %mul3A_185 : vector<64x96xi32>
    %le3A = vector.broadcast %add3A_152 : vector<64x1xi32> to vector<64x96xi32>
    %le3A_187 = arith.cmpi sle, %le3A, %mul3A_186 : vector<64x96xi32>
    %convert_element_type3A_188 = arith.extui %le3A_187 : vector<64x96xi1> to vector<64x96xi32>
    %reduce_sum3A_189 = arith.constant dense<0> : vector<96xi32>
    %reduce_sum3A_190 = vector.multi_reduction <add>, %convert_element_type3A_188, %reduce_sum3A_189 [0] : vector<64x96xi32> to vector<96xi32>
    %broadcast_in_dim3A_191 = vector.shape_cast %reduce_sum3A_190 : vector<96xi32> to vector<1x96xi32>
    %min3A = arith.constant 63 : i32
    %min3A_192 = vector.broadcast %min3A : i32 to vector<1x96xi32>
    %min3A_193 = arith.minsi %broadcast_in_dim3A_191, %min3A_192 : vector<1x96xi32>
    %slice3A_194 = vector.extract_strided_slice %add3A_152 {offsets = [63, 0], sizes = [1, 1], strides = [1, 1]} : vector<64x1xi32> to vector<1x1xi32>
    %shift_right_logical3A = arith.constant 7 : i32
    %shift_right_logical3A_195 = vector.broadcast %shift_right_logical3A : i32 to vector<1x1xi32>
    %shift_right_logical3A_196 = arith.shrui %slice3A_194, %shift_right_logical3A_195 : vector<1x1xi32>
    %concatenate3A_197 = tpu.concatenate %min3A_193, %shift_right_logical3A_196 in 1 : vector<1x96xi32>, vector<1x1xi32> -> vector<1x97xi32>
    %reshape3A_198 = vector.shape_cast %concatenate3A_197 : vector<1x97xi32> to vector<97xi32>
    %swap3A_199 = arith.constant 0 : index
    %swap3A_200 = vector.load %arg4[%swap3A_199] : memref<97xi32, #tpu.memory_space<vmem>>, vector<97xi32>
    tpu.vector_store %arg4[%swap3A_199], %reshape3A_198 {strides = array<i32>} : memref<97xi32, #tpu.memory_space<vmem>>, vector<97xi32>,
    return
  }
}

module attributes {stable_mosaic.version = 14 : i64} {
  func.func @_gmm_body(%arg0: i32, %arg1: memref<97xi32, #tpu.memory_space<smem>>, %arg2: memref<128x768xf32, #tpu.memory_space<vmem>>, %arg3: memref<128x128xf32, #tpu.memory_space<vmem>>, %arg4: memref<1x768x768xf32, #tpu.memory_space<vmem>>, %arg5: memref<1x768x768xf32, #tpu.memory_space<vmem>>, %arg6: memref<1x768x768xf32, #tpu.memory_space<vmem>>, %arg7: memref<128x768xf32, #tpu.memory_space<vmem>>) attributes {dimension_semantics = [#tpu.dimension_semantics<arbitrary>], iteration_bounds = array<i64: 96>, scalar_prefetch = 1 : i64, scratch_operands = 0 : i64, tpu.core_type = #tpu.core_type<tc>, window_params = [{transform_indices = @transform_0, window_bounds = array<i64: 128, 768>}, {transform_indices = @transform_1, window_bounds = array<i64: 128, 128>}, {transform_indices = @transform_2, window_bounds = array<i64: 1, 768, 768>}, {transform_indices = @transform_3, window_bounds = array<i64: 1, 768, 768>}, {transform_indices = @transform_4, window_bounds = array<i64: 1, 768, 768>}, {transform_indices = @transform_5, window_bounds = array<i64: 128, 768>}]} {
    %get3A = arith.constant 96 : index
    %get3A_0 = memref.load %arg1[%get3A] : memref<97xi32, #tpu.memory_space<smem>>
    %lt3A = arith.cmpi slt, %arg0, %get3A_0 : i32
    %convert_element_type3A = arith.extui %lt3A : i1 to i32
    %cond3A = arith.constant 0 : i32
    %cond3A_1 = arith.cmpi ne, %convert_element_type3A, %cond3A : i32
    scf.if %cond3A_1 {
      %get3A_2 = arith.constant 0 : index
      %get3A_3 = arith.constant 0 : index
      %get3A_4 = vector.load %arg2[%get3A_2, %get3A_3] : memref<128x768xf32, #tpu.memory_space<vmem>>, vector<128x768xf32>
      %get3A_5 = arith.constant 0 : index
      %get3A_6 = arith.constant 0 : index
      %get3A_7 = arith.constant 0 : index
      %get3A_8 = vector.load %arg4[%get3A_5, %get3A_6, %get3A_7] : memref<1x768x768xf32, #tpu.memory_space<vmem>>, vector<1x768x768xf32>
      %get3A_9 = vector.shape_cast %get3A_8 : vector<1x768x768xf32> to vector<768x768xf32>
      %dot_general3A = arith.constant dense<0.000000e+00> : vector<128x768xf32>
      %dot_general3A_10 = tpu.matmul %get3A_4, %get3A_9, %dot_general3A {dimension_numbers = #tpu.dot_dimension_numbers<[1], [0], [0], [1], [0, 0, 1, 1], [], []>, transpose_lhs_hint = false} : vector<128x768xf32>, vector<768x768xf32>, vector<128x768xf32> -> vector<128x768xf32>
      %get3A_11 = arith.constant 0 : index
      %get3A_12 = arith.constant 0 : index
      %get3A_13 = arith.constant 0 : index
      %get3A_14 = vector.load %arg5[%get3A_11, %get3A_12, %get3A_13] : memref<1x768x768xf32, #tpu.memory_space<vmem>>, vector<1x768x768xf32>
      %get3A_15 = vector.shape_cast %get3A_14 : vector<1x768x768xf32> to vector<768x768xf32>
      %dot_general3A_16 = arith.constant dense<0.000000e+00> : vector<128x768xf32>
      %dot_general3A_17 = tpu.matmul %get3A_4, %get3A_15, %dot_general3A_16 {dimension_numbers = #tpu.dot_dimension_numbers<[1], [0], [0], [1], [0, 0, 1, 1], [], []>, transpose_lhs_hint = false} : vector<128x768xf32>, vector<768x768xf32>, vector<128x768xf32> -> vector<128x768xf32>
      %logistic3A = arith.negf %dot_general3A_10 : vector<128x768xf32>
      %logistic3A_18 = math.exp %logistic3A : vector<128x768xf32>
      %logistic3A_19 = arith.constant 1.000000e+00 : f32
      %logistic3A_20 = vector.broadcast %logistic3A_19 : f32 to vector<128x768xf32>
      %logistic3A_21 = arith.addf %logistic3A_20, %logistic3A_18 : vector<128x768xf32>
      %logistic3A_22 = arith.divf %logistic3A_20, %logistic3A_21 : vector<128x768xf32>
      %mul3A = arith.mulf %dot_general3A_10, %logistic3A_22 : vector<128x768xf32>
      %mul3A_23 = arith.mulf %mul3A, %dot_general3A_17 : vector<128x768xf32>
      %get3A_24 = arith.constant 0 : index
      %get3A_25 = arith.constant 0 : index
      %get3A_26 = vector.load %arg3[%get3A_24, %get3A_25] : memref<128x128xf32, #tpu.memory_space<vmem>>, vector<128x128xf32>
      %slice3A = vector.extract_strided_slice %get3A_26 {offsets = [0, 0], sizes = [128, 1], strides = [1, 1]} : vector<128x128xf32> to vector<128x1xf32>
      %mul3A_27 = vector.broadcast %slice3A : vector<128x1xf32> to vector<128x768xf32>
      %mul3A_28 = arith.mulf %mul3A_23, %mul3A_27 : vector<128x768xf32>
      %get3A_29 = arith.constant 0 : index
      %get3A_30 = arith.constant 0 : index
      %get3A_31 = arith.constant 0 : index
      %get3A_32 = vector.load %arg6[%get3A_29, %get3A_30, %get3A_31] : memref<1x768x768xf32, #tpu.memory_space<vmem>>, vector<1x768x768xf32>
      %get3A_33 = vector.shape_cast %get3A_32 : vector<1x768x768xf32> to vector<768x768xf32>
      %dot_general3A_34 = arith.constant dense<0.000000e+00> : vector<128x768xf32>
      %dot_general3A_35 = tpu.matmul %mul3A_28, %get3A_33, %dot_general3A_34 {dimension_numbers = #tpu.dot_dimension_numbers<[1], [0], [0], [1], [0, 0, 1, 1], [], []>, transpose_lhs_hint = false} : vector<128x768xf32>, vector<768x768xf32>, vector<128x768xf32> -> vector<128x768xf32>
      %swap3A = arith.constant 0 : index
      %swap3A_36 = arith.constant 0 : index
      %swap3A_37 = vector.load %arg7[%swap3A, %swap3A_36] : memref<128x768xf32, #tpu.memory_space<vmem>>, vector<128x768xf32>
      tpu.vector_store %arg7[%swap3A, %swap3A_36], %dot_general3A_35 {strides = array<i32>} : memref<128x768xf32, #tpu.memory_space<vmem>>, vector<128x768xf32>,
    } else {
    }
    return
  }
  func.func @transform_0(%arg0: i32, %arg1: memref<97xi32, #tpu.memory_space<smem>>) -> (i32, i32) {
    %get3A = arith.constant 96 : index
    %get3A_0 = memref.load %arg1[%get3A] : memref<97xi32, #tpu.memory_space<smem>>
    %sub3A = arith.constant 1 : i32
    %sub3A_1 = arith.subi %get3A_0, %sub3A : i32
    %min3A = arith.minsi %arg0, %sub3A_1 : i32
    %c0_i32 = arith.constant 0 : i32
    %c0_i32_2 = arith.constant 0 : i32
    return %min3A, %c0_i32 : i32, i32
  }
  func.func @transform_1(%arg0: i32, %arg1: memref<97xi32, #tpu.memory_space<smem>>) -> (i32, i32) {
    %get3A = arith.constant 96 : index
    %get3A_0 = memref.load %arg1[%get3A] : memref<97xi32, #tpu.memory_space<smem>>
    %sub3A = arith.constant 1 : i32
    %sub3A_1 = arith.subi %get3A_0, %sub3A : i32
    %min3A = arith.minsi %arg0, %sub3A_1 : i32
    %c0_i32 = arith.constant 0 : i32
    %c0_i32_2 = arith.constant 0 : i32
    return %min3A, %c0_i32 : i32, i32
  }
  func.func @transform_2(%arg0: i32, %arg1: memref<97xi32, #tpu.memory_space<smem>>) -> (i32, i32, i32) {
    %get3A = arith.index_cast %arg0 : i32 to index
    %get3A_0 = memref.load %arg1[%get3A] : memref<97xi32, #tpu.memory_space<smem>>
    %c0_i32 = arith.constant 0 : i32
    %c0_i32_1 = arith.constant 0 : i32
    %c0_i32_2 = arith.constant 0 : i32
    return %get3A_0, %c0_i32, %c0_i32_1 : i32, i32, i32
  }
  func.func @transform_3(%arg0: i32, %arg1: memref<97xi32, #tpu.memory_space<smem>>) -> (i32, i32, i32) {
    %get3A = arith.index_cast %arg0 : i32 to index
    %get3A_0 = memref.load %arg1[%get3A] : memref<97xi32, #tpu.memory_space<smem>>
    %c0_i32 = arith.constant 0 : i32
    %c0_i32_1 = arith.constant 0 : i32
    %c0_i32_2 = arith.constant 0 : i32
    return %get3A_0, %c0_i32, %c0_i32_1 : i32, i32, i32
  }
  func.func @transform_4(%arg0: i32, %arg1: memref<97xi32, #tpu.memory_space<smem>>) -> (i32, i32, i32) {
    %get3A = arith.index_cast %arg0 : i32 to index
    %get3A_0 = memref.load %arg1[%get3A] : memref<97xi32, #tpu.memory_space<smem>>
    %c0_i32 = arith.constant 0 : i32
    %c0_i32_1 = arith.constant 0 : i32
    %c0_i32_2 = arith.constant 0 : i32
    return %get3A_0, %c0_i32, %c0_i32_1 : i32, i32, i32
  }
  func.func @transform_5(%arg0: i32, %arg1: memref<97xi32, #tpu.memory_space<smem>>) -> (i32, i32) {
    %get3A = arith.constant 96 : index
    %get3A_0 = memref.load %arg1[%get3A] : memref<97xi32, #tpu.memory_space<smem>>
    %sub3A = arith.constant 1 : i32
    %sub3A_1 = arith.subi %get3A_0, %sub3A : i32
    %min3A = arith.minsi %arg0, %sub3A_1 : i32
    %c0_i32 = arith.constant 0 : i32
    %c0_i32_2 = arith.constant 0 : i32
    return %min3A, %c0_i32 : i32, i32
  }
}

</mosaic_0001>

<sc_bundles>
// kernel: kernel.6.cloned.1.call-start
scs
__scs_entry_jumppad:
0x0: {  	(pc) =	sbr.rel $0x88, $3  }
0x1: {  	(tag) =	ssettag $0x0;
	lr =	simm.s32 $0x1  }
0x2: {  	[smem:$0x3F9C] =	sst lr;
	_ =	strace $0xD0000000  }
0x3: {  	_ = 	snop  }
0x4: {  	_ = 	snop  }
0x5: {  	_ = 	snop  }
0x6: {  	_ = 	snop  }
0x7: {  	_ = 	snop  }
__scs_overlays_trampoline_lowered:
0x8: {  	[smem:$0x3FAB] =	sst s0  }
0x9: {  	[smem:$0x3FAC] =	sst s1  }
0xa: {  	[smem:$0x3FAD] =	sst s2  }
0xb: {  	[smem:$0x3FAE] =	sst s3  }
0xc: {  	[smem:$0x3FAF] =	sst s4  }
0xd: {  	[smem:$0x3FB0] =	sst s5  }
0xe: {  	[smem:$0x3FB1] =	sst s6  }
0xf: {  	[smem:$0x3FB2] =	sst s7  }
0x10: {  	[smem:$0x3FB3] =	sst s8  }
0x11: {  	[smem:$0x3FB4] =	sst s9;
	s0 =	simm.s32 @!p0 $0x0  }
0x12: {  	s1 =	sld [smem:$0x3F9A];
	s0 =	simm.s32 @p0 $0x1  }
0x13: {  	[smem:$0x3FB5] =	sst s0;
	s0 =	simm.s32 @!p1 $0x0  }
0x14: {  	s2 =	sld [smem:$0x3F99];
	s0 =	simm.s32 @p1 $0x1  }
0x15: {  	[smem:$0x3FB6] =	sst s0;
	s0 =	simm.s32 @!p2 $0x0  }
0x16: {  	s3 =	sld [smem:$0x3FDB];
	s0 =	simm.s32 @p2 $0x1  }
0x17: {  	s4 =	simm.s32 $0x1BF5;
	[smem:$0x3FB8] =	sst s0  }
0x18: {  	s0 =	sld [smem:$0x3F9B];
	_ =	swait.ge [sflag:s4], $0x0  }
0x19: {  	s7 =	sld [smem:$0x3F9C]  }
0x1a: {  	s8 =	sadd.s32 $0xFFFFE003, lr  }
0x1b: {  	s9 =	sadd.s32 $0xFFFFFEF7, lr;
	s5 =	simm.s32 $0xFFFFFFFF;
	p2 =	slt.u32 s8, $0xFFFFF086  }
0x1c: {  	p1 =	slt.u32 s9, $0xF7A;
	s5 =	simm.s32 @!p2 $0x0  }
0x1d: {  	s5 =	simm.s32 @p1 $0x1;
	p0 =	seq.s32 s7, s2  }
0x1e: {  	s7 =	smul.u32 @!p0 $0xF7A, s2;
	p2 =	seq.s32 @!p0 s5, $0x0  }
0x1f: {  	s9 =	smul.u32 $0xF7A, s1;
	s8 =	simm.s32 @!p0 $0x1BF5;
	p2 =	por !p2, p0  }
0x20: {  	[sflag:s8] =	ssyncset.s32 @!p0 $0xFFFFF086;
	s6 =	sadd.s32 @!p0 s3, s7;
	s7 =	simm.s32 @!p0 $0x108  }
0x21: {  	s3 =	sadd.s32 s3, s9;
	s6 =	sadd.s32 @!p0 $0x88, s6;
	s7 =	simm.s32 @p2 $0x1082  }
0x22: {  	[simem:s7], [sflag:s8] =	dma.local @!p0 [hbm:s6], $0xF7A  }
0x23: {  	s9 =	sor.u32 $0xD0000000, s2;
	s6 =	simm.s32 $0x108;
	_ =	swait.ge @!p0 [sflag:s8], $0x0  }
0x24: {  	s3 =	sadd.s32 $0x88, s3;
	s6 =	simm.s32 @!p1 $0x1082;
	[sflag:s4] =	ssyncset.s32 $0xFFFFF086  }
0x25: {  	[simem:s6], [sflag:s4] =	dma.local [hbm:s3], $0xF7A  }
0x26: {  	[smem:$0x3F9C] =	sst s1;
	(tag) =	ssettag s2;
	_ =	strace s9  }
0x27: {  	s1 =	sld [smem:$0x3FAC]  }
0x28: {  	s2 =	sld [smem:$0x3FAD]  }
0x29: {  	s4 =	sld [smem:$0x3FAF]  }
0x2a: {  	p0 =	seq.s32 s5, $0x0;
	s5 =	sld [smem:$0x3FB0]  }
0x2b: {  	s6 =	sld [smem:$0x3FB1]  }
0x2c: {  	s7 =	sld [smem:$0x3FB2]  }
0x2d: {  	s3 =	simm.s32 $0x108;
	s8 =	sld [smem:$0x3FB3]  }
0x2e: {  	s3 =	simm.s32 @!p0 $0x1082;
	s9 =	sld [smem:$0x3FB4]  }
0x2f: {  	lr =	sadd.s32 s0, s3;
	s0 =	sld [smem:$0x3FAB]  }
0x30: {  	s3 =	sld [smem:$0x3FAE]  }
0x31: {  	[smem:$0x3FB7] =	sst s10  }
0x32: {  	s10 =	sld [smem:$0x3FB5];
	_ =	sdelay $0x3  }
0x33: {  	p0 =	seq.s32 s10, $0x1;
	s10 =	sld [smem:$0x3FB7];
	_ =	sdelay $0x3  }
0x34: {  	[smem:$0x3FB7] =	sst s10  }
0x35: {  	s10 =	sld [smem:$0x3FB6];
	_ =	sdelay $0x3  }
0x36: {  	p1 =	seq.s32 s10, $0x1;
	s10 =	sld [smem:$0x3FB7];
	_ =	sdelay $0x3  }
0x37: {  	[smem:$0x3FB7] =	sst s10  }
0x38: {  	s10 =	sld [smem:$0x3FB8]  }
0x39: {  	_ = 	snop;
	(pc) =	sbr.ind lr, $3  }
0x3a: {  	_ = 	snop  }
0x3b: {  	_ = 	snop  }
0x3c: {  	p2 =	seq.s32 s10, $0x1;
	s10 =	sld [smem:$0x3FB7]  }
0x3d: {  	_ =	shalt  }
0x3e: {  	_ =	shalt  }
0x3f: {  	_ =	shalt  }
0x40: {  	_ =	shalt  }
0x41: {  	_ =	shalt  }
0x42: {  	_ =	shalt  }
0x43: {  	_ =	shalt  }
0x44: {  	_ =	shalt  }
0x45: {  	_ =	shalt  }
0x46: {  	_ =	shalt  }
0x47: {  	_ =	shalt  }
0x48: {  	_ =	shalt  }
0x49: {  	_ =	shalt  }
0x4a: {  	_ =	shalt  }
0x4b: {  	_ =	shalt  }
0x4c: {  	_ =	shalt  }
0x4d: {  	_ =	shalt  }
0x4e: {  	_ =	shalt  }
0x4f: {  	_ =	shalt  }
0x50: {  	_ =	shalt  }
0x51: {  	_ =	shalt  }
0x52: {  	_ =	shalt  }
0x53: {  	_ =	shalt  }
0x54: {  	_ =	shalt  }
0x55: {  	_ =	shalt  }
0x56: {  	_ =	shalt  }
0x57: {  	_ =	shalt  }
0x58: {  	_ =	shalt  }
0x59: {  	_ =	shalt  }
0x5a: {  	_ =	shalt  }
0x5b: {  	_ =	shalt  }
0x5c: {  	_ =	shalt  }
0x5d: {  	_ =	shalt  }
0x5e: {  	_ =	shalt  }
0x5f: {  	_ =	shalt  }
0x60: {  	_ =	shalt  }
0x61: {  	_ =	shalt  }
0x62: {  	_ =	shalt  }
0x63: {  	_ =	shalt  }
0x64: {  	_ =	shalt  }
0x65: {  	_ =	shalt  }
0x66: {  	_ =	shalt  }
0x67: {  	_ =	shalt  }
0x68: {  	_ =	shalt  }
0x69: {  	_ =	shalt  }
0x6a: {  	_ =	shalt  }
0x6b: {  	_ =	shalt  }
0x6c: {  	_ =	shalt  }
0x6d: {  	_ =	shalt  }
0x6e: {  	_ =	shalt  }
0x6f: {  	_ =	shalt  }
0x70: {  	_ =	shalt  }
0x71: {  	_ =	shalt  }
0x72: {  	_ =	shalt  }
0x73: {  	_ =	shalt  }
0x74: {  	_ =	shalt  }
0x75: {  	_ =	shalt  }
0x76: {  	_ =	shalt  }
0x77: {  	_ =	shalt  }
0x78: {  	_ =	shalt  }
0x79: {  	_ =	shalt  }
0x7a: {  	_ =	shalt  }
0x7b: {  	_ =	shalt  }
0x7c: {  	_ =	shalt  }
0x7d: {  	_ =	shalt  }
0x7e: {  	_ =	shalt  }
0x7f: {  	_ =	shalt  }
0x80: {  	_ =	shalt  }
0x81: {  	_ =	shalt  }
0x82: {  	_ =	shalt  }
0x83: {  	_ =	shalt  }
0x84: {  	_ =	shalt  }
0x85: {  	_ =	shalt  }
0x86: {  	_ =	shalt  }
0x87: {  	_ =	shalt  }
.Lfunc_end0:
.L_simem_size_0:
called_computation_lowered:
.L_overlay_start_0:
0x88: {  	s2 =	sld [smem:$0x3FD9]  }
0x89: {  	s3 =	sld [smem:$0x3FFE];
	_ =	sdelay $0x1  }
0x8a: {  	s1 =	srdreg.scid  }
0x8b: {  	s0 =	sand.u32 $0x1, s1  }
0x8c: {  	s17 =	sshll.u32 s0, $0xA;
	s2 =	sadd.s32 s3, s2  }
0x8d: {  	s2 =	sadd.s32 s2, s17  }
0x8e: {  	[smem:$0x3FC3] =	sst s2  }
0x8f: {  	_ = 	snop  }
0x90: {  	s2 =	sld [smem:$0x3FC9]  }
0x91: {  	s18 =	sld [smem:$0x3FD0];
	(tm) =	ssettm $0x1  }
0x92: {  	s4 =	sld [smem:$0x3FFB];
	_ =	sdelay $0x3  }
0x93: {  	_ =	strace s4  }
0x94: {  	s4 =	sld [smem:$0x3FFC];
	_ =	sdelay $0x3  }
0x95: {  	_ =	strace s4  }
0x96: {  	s4 =	sld [smem:$0x3FFD];
	_ =	sdelay $0x3  }
0x97: {  	_ =	strace s4  }
0x98: {  	_ =	strace $0x8FFFFFFF  }
0x99: {  	s19 =	sld [smem:$0x3FDB];
	_ =	sdelay $0x1  }
0x9a: {  	s5 =	simm.s32 $_scs_section_size  }
0x9b: {  	s6 =	simm.s32 $_size__tile_overlayer_lowered;
	s7 =	simm.s32 $_tile_overlayer_lowered  }
0x9c: {  	s22 =	simm.s32 $0x1BFF;
	s21 =	sshll.u32 s7, $0x1;
	s4 =	sadd.s32 s5, s19  }
0x9d: {  	s8 =	simm.s32 $0x0;
	s20 =	sshll.u32 s6, $0x1;
	s6 =	sadd.s32 s21, s4  }
0x9e: {  	[timem:s8], [sflag:s22] =	dma.local [hbm:s6], s20  }
0x9f: {  	_ =	swait.ge [sflag:s22], s20  }
0xa0: {  	s5 =	ssub.s32 $0x0, s20;
	[sflag:s22] =	ssyncset.done $0x0  }
0xa1: {  	[sflag:s22] =	ssyncadd.s32 s5;
	_ =	sdelay $0x1  }
0xa2: {  	s23 =	simm.s32 $0x1B8B  }
0xa3: {  	_ =	swait.ge [sflag:s23], $0x1  }
0xa4: {  	[sflag:s23] =	ssyncset.done $0x0  }
0xa5: {  	s25 =	simm.s32 $0x1B8E;
	s24 =	sld [smem:$0x3FFE];
	[sflag:s23] =	ssyncadd.s32 $0xFFFFFFFF  }
0xa6: {  	s26 =	simm.s32 $execute0_lowered;
	[smem:$0x3FD2] =	sst s25  }
0xa7: {  	s6 =	sshll.u32 s26, $0x1;
	_ =	strace $0x80000046;
	[dreg:$0x1] =	wrdreg $0xFFFFFFFF  }
0xa8: {  	s28 =	simm.s32 $_size_execute0_lowered;
	s4 =	sadd.s32 s4, s6;
	[dreg:$0x0] =	wrdreg $0x0  }
0xa9: {  	s6 =	sshll.u32 s28, $0x1;
	[dreg:$0x2] =	wrdreg s4  }
0xaa: {  	[dreg:$0x3] =	wrdreg s6  }
0xab: {  	[dreg:$0x4] =	wrdreg $0xC0  }
0xac: {  	_ =	task [dreg:s8], $0x5FFFF  }
0xad: {  	[dreg:$0x1] =	wrdreg $0xFFFFFFFF  }
0xae: {  	[dreg:$0x0] =	wrdreg $0x60  }
0xaf: {  	[dreg:$0x2] =	wrdreg s2  }
0xb0: {  	[dreg:$0x3] =	wrdreg s24  }
0xb1: {  	[dreg:$0x4] =	wrdreg s18  }
0xb2: {  	[dreg:$0x5] =	wrdreg $0x9  }
0xb3: {  	_ =	task.clear_ibuf [dreg:s8], $0x6FFFF;
	_ =	strace $0x90000046  }
0xb4: {  	s29 =	simm.s32 $0x9;
	_ =	strace $0x80000048  }
0xb5: {  	_ =	swait.ge [sflag:s29], $0x1  }
0xb6: {  	[sflag:s29] =	ssyncadd.s32 $0xFFFFFFFF  }
0xb7: {  	_ =	strace $0x90000048  }
0xb8: {  	_ =	sfence  }
0xb9: {  	s30 =	sld [smem:$0x0];
	_ =	sdelay $0x2  }
0xba: {  	s31 =	sshll.u32 s1, $0xD;
	s1 =	sshrl.u32 s1, $0x2  }
0xbb: {  	s3 =	sand.u32 $0x4000, s31;
	s1 =	sadd.s32 s1, s30  }
0xbc: {  	s0 =	sor.u32 s3, s0;
	s1 =	sshll.u32 s1, $0x11  }
0xbd: {  	s0 =	sor.u32 s1, s0  }
0xbe: {  	s0 =	sadd.s32 $0x8F2B, s0  }
0xbf: {  	[sflag:s0] =	ssyncadd.remote.s32 $0x1  }
0xc0: {  	_ =	sfence.sel $0xFFFF  }
0xc1: {  	[dreg:$0x0] =	wrdreg $0xFFFFFFFF;
	(pc) =	sbr.abs _section_cstart, $3  }
0xc2: {  	[dreg:$0x1] =	wrdreg $0xFFFFFFFF  }
0xc3: {  	_ =	task.clear_ibuf [dreg:s8], $0x2FFFF;
	_ =	strace $0x9FFFFFFF  }
0xc4: {  	(tm) =	ssettm $0x7FFFFFFF  }
0xc5: {  	_ =	shalt  }
tec
execute0_lowered:
.L_overlay_start_1:
0x0: {  	(tag) =	ssettag $0x1  }
0x1: {  	s1 =	srdreg.scid  }
0x2: {  	s0 =	stileid.u32;
	s4 =	rddreg [dreg:$0x0];
	s5 =	sand.u32 $0x1, s1  }
0x3: {  	s2 =	sshll.u32 s0, $0x8;
	s1 =	rddreg [dreg:$0x1];
	s3 =	sshll.u32 s5, $0x7  }
0x4: {  	s6 =	sor.u32 s3, s2;
	s2 =	rddreg [dreg:$0x2];
	s3 =	simm.s32 $0x0  }
0x5: {  	s16 =	simm.s32 $0x900;
	[smem:$0x7FF] =	sst s3  }
0x6: {  	s17 =	simm.s32 $0x1100;
	_ =	strace $0x80000047;
	[dreg:$0x8] =	wrdreg s16  }
0x7: {  	s18 =	simm.s32 $0x1900;
	[dreg:$0x9] =	wrdreg s17  }
0x8: {  	s19 =	simm.s32 $0x2100;
	[dreg:$0xa] =	wrdreg s18  }
0x9: {  	s20 =	simm.s32 $0x2900;
	[dreg:$0xb] =	wrdreg s19  }
0xa: {  	s21 =	simm.s32 $0x3100;
	[dreg:$0xc] =	wrdreg s20  }
0xb: {  	s22 =	simm.s32 $0x3900;
	[dreg:$0xd] =	wrdreg s21  }
0xc: {  	s23 =	simm.s32 $0x4100;
	[dreg:$0xe] =	wrdreg s22  }
0xd: {  	s24 =	simm.s32 $0x4900;
	s25 =	simm.s32 $0x5100;
	[dreg:$0xf] =	wrdreg s23  }
0xe: {  	s26 =	simm.s32 $0x5900;
	s10 =	simm.s32 $0x8900;
	[dreg:$0x10] =	wrdreg s24  }
0xf: {  	s11 =	simm.s32 $0x9100;
	s12 =	simm.s32 $0x9900;
	[dreg:$0x11] =	wrdreg s25  }
0x10: {  	p0 =	sgt.u32 s0, $0x7;
	s0 =	simm.s32 $0x6100;
	[dreg:$0x12] =	wrdreg s26  }
0x11: {  	s13 =	simm.s32 $0xA100;
	s28 =	simm.s32 $0x16900;
	[dreg:$0x13] =	wrdreg s0  }
0x12: {  	s29 =	simm.s32 $0x17100;
	s30 =	simm.s32 $0x17900;
	[dreg:$0x18] =	wrdreg s10  }
0x13: {  	s31 =	simm.s32 $0x40;
	s7 =	sshrl.u32 s6, $0x3;
	[dreg:$0x19] =	wrdreg s11  }
0x14: {  	s8 =	sshll.u32 s6, $0x4;
	s9 =	sadd.s32 $0xFFFFF800, s6;
	[dreg:$0x1a] =	wrdreg s12  }
0x15: {  	s6 =	smov.u32 @p0 s9;
	s9 =	simm.s32 $0x8100;
	[dreg:$0x1b] =	wrdreg s13  }
0x16: {  	s5 =	ssub.s32 $0x2, s5;
	s16 =	simm.s32 $0xB100;
	[dreg:$0x17] =	wrdreg s9  }
0x17: {  	s7 =	sadd.s32 s7, s1;
	s17 =	simm.s32 $0xB900;
	[dreg:$0x1d] =	wrdreg s16  }
0x18: {  	s8 =	sadd.s32 s8, s1;
	s18 =	simm.s32 $0xC100;
	[dreg:$0x1e] =	wrdreg s17  }
0x19: {  	s19 =	simm.s32 $0xC900;
	s20 =	simm.s32 $0xD100;
	[dreg:$0x1f] =	wrdreg s18  }
0x1a: {  	s21 =	simm.s32 $0xD900;
	s10 =	simm.s32 $0x18100;
	[smem:$0x7F6] =	sst s19  }
0x1b: {  	s22 =	simm.s32 $0xE100;
	s11 =	simm.s32 $0x1;
	[smem:$0x7F7] =	sst s20  }
0x1c: {  	s23 =	simm.s32 $0xE900;
	s12 =	simm.s32 $0x4;
	[smem:$0x7F8] =	sst s21  }
0x1d: {  	s24 =	simm.s32 $0xF100;
	s13 =	simm.s32 $0x2;
	[smem:$0x7F9] =	sst s22  }
0x1e: {  	s25 =	simm.s32 $0xF900;
	s26 =	simm.s32 $0x10100;
	[smem:$0x7FA] =	sst s23  }
0x1f: {  	s6 =	sshrl.u32 s6, $0x3;
	s14 =	sadd.s32 $0x11600, s7;
	[smem:$0x7FB] =	sst s24  }
0x20: {  	s7 =	sadd.s32 $0x11608, s7;
	s15 =	sadd.s32 $0x1600, s8;
	[smem:$0x7FC] =	sst s25  }
0x21: {  	s8 =	simm.s32 $0x7900;
	s9 =	simm.s32 $0x100;
	[smem:$0x7FD] =	sst s26  }
0x22: {  	s16 =	simm.s32 $0x11100;
	s17 =	simm.s32 $0x11900;
	s18 =	simm.s32 $0x12100  }
0x23: {  	s19 =	simm.s32 $0x12900;
	s20 =	simm.s32 $0x13100;
	s21 =	simm.s32 $0x13900  }
0x24: {  	s22 =	simm.s32 $0x14100;
	s23 =	simm.s32 $0x14900;
	[dreg:$0x4] =	wrdreg s14  }
0x25: {  	s24 =	simm.s32 $0x15100;
	s25 =	simm.s32 $0x15900;
	[dreg:$0x5] =	wrdreg s7  }
0x26: {  	s26 =	simm.s32 $0x16100;
	s6 =	smul.u32 $0x300, s6;
	[dreg:$0x7] =	wrdreg s15  }
0x27: {  	s7 =	simm.s32 $0x7100;
	[dreg:$0x16] =	wrdreg s8;
	s14 =	sshrl.u32 s5, $0x1  }
0x28: {  	s15 =	simm.s32 $0xA900;
	s8 =	simm.s32 $0x80;
	[dreg:$0x15] =	wrdreg s7  }
0x29: {  	s7 =	ssub.s32 s5, s14;
	[dreg:$0x1c] =	wrdreg s15;
	s4 =	sadd.s32 s4, s6  }
0x2a: {  	v2 =	vlaneseq.u32;
	s5 =	sadd.s32 $0x11900, s1;
	s6 =	simm.s32 $0x6900;
	[dreg:$0x6] =	wrdreg s4  }
0x2b: {  	vm0 =	vmmov $0xffff;
	v1 =	vshrl.u32 v2, $0x3;
	s14 =	simm.s32 $0x3;
	s7 =	smax.u32 s7, $0x1;
	[dreg:$0x14] =	wrdreg s6  }
0x2c: {  	v0 =	vand.u32 $0x7, v2;
	v2 =	vor.u32 $0x8, v2;
	v1 =	vmul.u32 $0x8, v1;
	s4 =	sadd.s32 $0x11800, s1;
	s6 =	sadd.s32 $0x11A00, s1;
	s1 =	simm.s32 $0x1A100  }
.LBB2_1:
0x2d: {  	s0 =	rddreg [dreg:$0x4]  }
0x2e: {  	[tilespmem:s3], [sflag:$0x1] =	stream.linear.gather [hbm4b:s0+s3], $0x40, $0x38;
	[tilespmem:$0x1C100] =	vst v63  }
0x2f: {  	s15 =	rddreg [dreg:$0x5]  }
0x30: {  	[tilespmem:s8], [sflag:$0x4] =	stream.linear.gather [hbm4b:s15+s3], $0x40, $0x38;
	[tilespmem:$0x1C100] =	vst v63  }
0x31: {  	s0 =	rddreg [dreg:$0x6]  }
0x32: {  	[tilespmem:s9], [sflag:$0x2] =	stream.linear.gather [hbm4b:s0+s3], $0x18000, $0x38;
	[tilespmem:$0x1C100] =	vst v63  }
0x33: {  	s15 =	rddreg [dreg:$0x7]  }
0x34: {  	[tilespmem:s10], [sflag:$0x3] =	stream.linear.gather [hbm4b:s15+s3], $0x4000, $0x38;
	[tilespmem:$0x1C100] =	vst v63  }
0x35: {  	_ =	swait.ge [sflag:s11], $0x40  }
0x36: {  	[sflag:s11] =	ssyncset.done $0x0  }
0x37: {  	[sflag:s11] =	ssyncadd.s32 $0xFFFFFFC0  }
0x38: {  	_ =	swait.ge [sflag:s12], $0x40  }
0x39: {  	[sflag:s12] =	ssyncset.done $0x0  }
0x3a: {  	[sflag:s12] =	ssyncadd.s32 $0xFFFFFFC0  }
0x3b: {  	_ =	swait.ge [sflag:s13], $0x18000  }
0x3c: {  	[sflag:s13] =	ssyncset.done $0x0  }
0x3d: {  	[sflag:s13] =	ssyncadd.s32 $0xFFFE8000  }
0x3e: {  	_ =	swait.ge [sflag:s14], $0x4000  }
0x3f: {  	[sflag:s14] =	ssyncset.done $0x0  }
0x40: {  	[sflag:s14] =	ssyncadd.s32 $0xFFFFC000  }
0x41: {  	v3 =	vld [tilespmem:$0x0];
	_ =	sdelay $0x4  }
0x42: {  	v4 =	vshrl.u32 v3, $0x3  }
0x43: {  	v4 =	vmul.u32 $0x30, v4  }
0x44: {  	v3 =	vand.u32 $0x7, v3  }
0x45: {  	v3 =	vor.u32 v3, v4  }
0x46: {  	v4 =	vperm.xlane v3, v0;
	_ =	sdelay $0x1  }
0x47: {  	v4 =	vadd.s32 v1, v4;
	_ =	sdelay $0x3  }
0x48: {  	v3 =	vperm.xlane v3, v2  }
0x49: {  	[hbm4b:s4+s3] =	stream.indirect_vreg.scatter [tilespmem:s9], [sflag:$0x1], $0x80, v4, vm0, $0xb8;
	[tilespmem:$0x1C100] =	vst v63  }
0x4a: {  	s0 =	rddreg [dreg:$0x8];
	v3 =	vadd.s32 v1, v3  }
0x4b: {  	[hbm4b:s5+s3] =	stream.indirect_vreg.scatter [tilespmem:s0], [sflag:$0x1], $0x80, v4, vm0, $0xb8;
	[tilespmem:$0x1C100] =	vst v63  }
0x4c: {  	s15 =	rddreg [dreg:$0x9]  }
0x4d: {  	[hbm4b:s6+s3] =	stream.indirect_vreg.scatter [tilespmem:s15], [sflag:$0x1], $0x80, v4, vm0, $0xb8;
	[tilespmem:$0x1C100] =	vst v63  }
0x4e: {  	s0 =	rddreg [dreg:$0xa]  }
0x4f: {  	[hbm4b:s4+s3] =	stream.indirect_vreg.scatter [tilespmem:s0], [sflag:$0x1], $0x80, v3, vm0, $0xb8;
	[tilespmem:$0x1C100] =	vst v63  }
0x50: {  	s15 =	rddreg [dreg:$0xb]  }
0x51: {  	[hbm4b:s5+s3] =	stream.indirect_vreg.scatter [tilespmem:s15], [sflag:$0x1], $0x80, v3, vm0, $0xb8;
	[tilespmem:$0x1C100] =	vst v63  }
0x52: {  	s0 =	rddreg [dreg:$0xc]  }
0x53: {  	[hbm4b:s6+s3] =	stream.indirect_vreg.scatter [tilespmem:s0], [sflag:$0x1], $0x80, v3, vm0, $0xb8;
	[tilespmem:$0x1C100] =	vst v63  }
0x54: {  	v3 =	vld [tilespmem:$0x10];
	_ =	sdelay $0x4  }
0x55: {  	v57 =	vshrl.u32 v3, $0x3  }
0x56: {  	v4 =	vmul.u32 $0x30, v57  }
0x57: {  	v3 =	vand.u32 $0x7, v3  }
0x58: {  	v3 =	vor.u32 v3, v4  }
0x59: {  	v4 =	vperm.xlane v3, v0;
	_ =	sdelay $0x1  }
0x5a: {  	v4 =	vadd.s32 v1, v4;
	_ =	sdelay $0x3  }
0x5b: {  	s0 =	rddreg [dreg:$0xd];
	v3 =	vperm.xlane v3, v2  }
0x5c: {  	[hbm4b:s4+s3] =	stream.indirect_vreg.scatter [tilespmem:s0], [sflag:$0x1], $0x80, v4, vm0, $0xb8;
	[tilespmem:$0x1C100] =	vst v63  }
0x5d: {  	s15 =	rddreg [dreg:$0xe];
	v3 =	vadd.s32 v1, v3  }
0x5e: {  	[hbm4b:s5+s3] =	stream.indirect_vreg.scatter [tilespmem:s15], [sflag:$0x1], $0x80, v4, vm0, $0xb8;
	[tilespmem:$0x1C100] =	vst v63  }
0x5f: {  	s0 =	rddreg [dreg:$0xf]  }
0x60: {  	[hbm4b:s6+s3] =	stream.indirect_vreg.scatter [tilespmem:s0], [sflag:$0x1], $0x80, v4, vm0, $0xb8;
	[tilespmem:$0x1C100] =	vst v63  }
0x61: {  	s15 =	rddreg [dreg:$0x10]  }
0x62: {  	[hbm4b:s4+s3] =	stream.indirect_vreg.scatter [tilespmem:s15], [sflag:$0x1], $0x80, v3, vm0, $0xb8;
	[tilespmem:$0x1C100] =	vst v63  }
0x63: {  	s0 =	rddreg [dreg:$0x11]  }
0x64: {  	[hbm4b:s5+s3] =	stream.indirect_vreg.scatter [tilespmem:s0], [sflag:$0x1], $0x80, v3, vm0, $0xb8;
	[tilespmem:$0x1C100] =	vst v63  }
0x65: {  	s15 =	rddreg [dreg:$0x12]  }
0x66: {  	[hbm4b:s6+s3] =	stream.indirect_vreg.scatter [tilespmem:s15], [sflag:$0x1], $0x80, v3, vm0, $0xb8;
	[tilespmem:$0x1C100] =	vst v63  }
0x67: {  	v3 =	vld [tilespmem:$0x20];
	_ =	sdelay $0x4  }
0x68: {  	v58 =	vshrl.u32 v3, $0x3  }
0x69: {  	v4 =	vmul.u32 $0x30, v58  }
0x6a: {  	v3 =	vand.u32 $0x7, v3  }
0x6b: {  	v3 =	vor.u32 v3, v4  }
0x6c: {  	v4 =	vperm.xlane v3, v0;
	_ =	sdelay $0x1  }
0x6d: {  	v4 =	vadd.s32 v1, v4;
	_ =	sdelay $0x3  }
0x6e: {  	s0 =	rddreg [dreg:$0x13];
	v3 =	vperm.xlane v3, v2  }
0x6f: {  	[hbm4b:s4+s3] =	stream.indirect_vreg.scatter [tilespmem:s0], [sflag:$0x1], $0x80, v4, vm0, $0xb8;
	[tilespmem:$0x1C100] =	vst v63  }
0x70: {  	s15 =	rddreg [dreg:$0x14];
	v3 =	vadd.s32 v1, v3  }
0x71: {  	[hbm4b:s5+s3] =	stream.indirect_vreg.scatter [tilespmem:s15], [sflag:$0x1], $0x80, v4, vm0, $0xb8;
	[tilespmem:$0x1C100] =	vst v63  }
0x72: {  	s0 =	rddreg [dreg:$0x15]  }
0x73: {  	[hbm4b:s6+s3] =	stream.indirect_vreg.scatter [tilespmem:s0], [sflag:$0x1], $0x80, v4, vm0, $0xb8;
	[tilespmem:$0x1C100] =	vst v63  }
0x74: {  	s15 =	rddreg [dreg:$0x16]  }
0x75: {  	[hbm4b:s4+s3] =	stream.indirect_vreg.scatter [tilespmem:s15], [sflag:$0x1], $0x80, v3, vm0, $0xb8;
	[tilespmem:$0x1C100] =	vst v63  }
0x76: {  	s0 =	rddreg [dreg:$0x17]  }
0x77: {  	[hbm4b:s5+s3] =	stream.indirect_vreg.scatter [tilespmem:s0], [sflag:$0x1], $0x80, v3, vm0, $0xb8;
	[tilespmem:$0x1C100] =	vst v63  }
0x78: {  	s15 =	rddreg [dreg:$0x18]  }
0x79: {  	[hbm4b:s6+s3] =	stream.indirect_vreg.scatter [tilespmem:s15], [sflag:$0x1], $0x80, v3, vm0, $0xb8;
	[tilespmem:$0x1C100] =	vst v63  }
0x7a: {  	v3 =	vld [tilespmem:$0x30];
	_ =	sdelay $0x4  }
0x7b: {  	v59 =	vshrl.u32 v3, $0x3  }
0x7c: {  	v4 =	vmul.u32 $0x30, v59  }
0x7d: {  	v3 =	vand.u32 $0x7, v3  }
0x7e: {  	v3 =	vor.u32 v3, v4  }
0x7f: {  	v4 =	vperm.xlane v3, v0;
	_ =	sdelay $0x1  }
0x80: {  	v4 =	vadd.s32 v1, v4;
	_ =	sdelay $0x3  }
0x81: {  	s0 =	rddreg [dreg:$0x19];
	v3 =	vperm.xlane v3, v2  }
0x82: {  	[hbm4b:s4+s3] =	stream.indirect_vreg.scatter [tilespmem:s0], [sflag:$0x1], $0x80, v4, vm0, $0xb8;
	[tilespmem:$0x1C100] =	vst v63  }
0x83: {  	s15 =	rddreg [dreg:$0x1a];
	v3 =	vadd.s32 v1, v3  }
0x84: {  	[hbm4b:s5+s3] =	stream.indirect_vreg.scatter [tilespmem:s15], [sflag:$0x1], $0x80, v4, vm0, $0xb8;
	[tilespmem:$0x1C100] =	vst v63  }
0x85: {  	s0 =	rddreg [dreg:$0x1b]  }
0x86: {  	[hbm4b:s6+s3] =	stream.indirect_vreg.scatter [tilespmem:s0], [sflag:$0x1], $0x80, v4, vm0, $0xb8;
	[tilespmem:$0x1C100] =	vst v63  }
0x87: {  	s15 =	rddreg [dreg:$0x1c]  }
0x88: {  	[hbm4b:s4+s3] =	stream.indirect_vreg.scatter [tilespmem:s15], [sflag:$0x1], $0x80, v3, vm0, $0xb8;
	[tilespmem:$0x1C100] =	vst v63  }
0x89: {  	s0 =	rddreg [dreg:$0x1d]  }
0x8a: {  	[hbm4b:s5+s3] =	stream.indirect_vreg.scatter [tilespmem:s0], [sflag:$0x1], $0x80, v3, vm0, $0xb8;
	[tilespmem:$0x1C100] =	vst v63  }
0x8b: {  	s15 =	rddreg [dreg:$0x1e]  }
0x8c: {  	[hbm4b:s6+s3] =	stream.indirect_vreg.scatter [tilespmem:s15], [sflag:$0x1], $0x80, v3, vm0, $0xb8;
	[tilespmem:$0x1C100] =	vst v63  }
0x8d: {  	v3 =	vld [tilespmem:$0x80];
	_ =	sdelay $0x4  }
0x8e: {  	v60 =	vshrl.u32 v3, $0x3  }
0x8f: {  	v4 =	vmul.u32 $0x30, v60  }
0x90: {  	v3 =	vand.u32 $0x7, v3  }
0x91: {  	v3 =	vor.u32 v3, v4  }
0x92: {  	v4 =	vperm.xlane v3, v0;
	_ =	sdelay $0x1  }
0x93: {  	v4 =	vadd.s32 v1, v4;
	_ =	sdelay $0x2  }
0x94: {  	s0 =	rddreg [dreg:$0x1f]  }
0x95: {  	s15 =	sld [smem:$0x7F6];
	v3 =	vperm.xlane v3, v2  }
0x96: {  	[hbm4b:s4+s3] =	stream.indirect_vreg.scatter [tilespmem:s0], [sflag:$0x2], $0x80, v4, vm0, $0xb8;
	[tilespmem:$0x1C100] =	vst v63  }
0x97: {  	v3 =	vadd.s32 v1, v3;
	s0 =	sld [smem:$0x7F7]  }
0x98: {  	[hbm4b:s5+s3] =	stream.indirect_vreg.scatter [tilespmem:s15], [sflag:$0x2], $0x80, v4, vm0, $0xb8;
	[tilespmem:$0x1C100] =	vst v63  }
0x99: {  	s15 =	sld [smem:$0x7F8]  }
0x9a: {  	[hbm4b:s6+s3] =	stream.indirect_vreg.scatter [tilespmem:s0], [sflag:$0x2], $0x80, v4, vm0, $0xb8;
	[tilespmem:$0x1C100] =	vst v63  }
0x9b: {  	s0 =	sld [smem:$0x7F9]  }
0x9c: {  	[hbm4b:s4+s3] =	stream.indirect_vreg.scatter [tilespmem:s15], [sflag:$0x2], $0x80, v3, vm0, $0xb8;
	[tilespmem:$0x1C100] =	vst v63  }
0x9d: {  	s15 =	sld [smem:$0x7FA]  }
0x9e: {  	[hbm4b:s5+s3] =	stream.indirect_vreg.scatter [tilespmem:s0], [sflag:$0x2], $0x80, v3, vm0, $0xb8;
	[tilespmem:$0x1C100] =	vst v63  }
0x9f: {  	_ = 	snop  }
0xa0: {  	[hbm4b:s6+s3] =	stream.indirect_vreg.scatter [tilespmem:s15], [sflag:$0x2], $0x80, v3, vm0, $0xb8;
	[tilespmem:$0x1C100] =	vst v63  }
0xa1: {  	v3 =	vld [tilespmem:$0x90];
	_ =	sdelay $0x4  }
0xa2: {  	v61 =	vshrl.u32 v3, $0x3  }
0xa3: {  	v4 =	vmul.u32 $0x30, v61  }
0xa4: {  	v3 =	vand.u32 $0x7, v3  }
0xa5: {  	v3 =	vor.u32 v3, v4  }
0xa6: {  	v4 =	vperm.xlane v3, v0;
	_ =	sdelay $0x1  }
0xa7: {  	v4 =	vadd.s32 v1, v4;
	_ =	sdelay $0x1  }
0xa8: {  	s0 =	sld [smem:$0x7FB];
	_ =	sdelay $0x1  }
0xa9: {  	s15 =	sld [smem:$0x7FC];
	v3 =	vperm.xlane v3, v2  }
0xaa: {  	[hbm4b:s4+s3] =	stream.indirect_vreg.scatter [tilespmem:s0], [sflag:$0x2], $0x80, v4, vm0, $0xb8;
	[tilespmem:$0x1C100] =	vst v63  }
0xab: {  	v3 =	vadd.s32 v1, v3;
	s0 =	sld [smem:$0x7FD]  }
0xac: {  	[hbm4b:s5+s3] =	stream.indirect_vreg.scatter [tilespmem:s15], [sflag:$0x2], $0x80, v4, vm0, $0xb8;
	[tilespmem:$0x1C100] =	vst v63  }
0xad: {  	_ = 	snop  }
0xae: {  	[hbm4b:s6+s3] =	stream.indirect_vreg.scatter [tilespmem:s0], [sflag:$0x2], $0x80, v4, vm0, $0xb8;
	[tilespmem:$0x1C100] =	vst v63  }
0xaf: {  	s15 =	simm.s32 $0x10900  }
0xb0: {  	[hbm4b:s4+s3] =	stream.indirect_vreg.scatter [tilespmem:s15], [sflag:$0x2], $0x80, v3, vm0, $0xb8;
	[tilespmem:$0x1C100] =	vst v63  }
0xb1: {  	_ = 	snop  }
0xb2: {  	[hbm4b:s5+s3] =	stream.indirect_vreg.scatter [tilespmem:s16], [sflag:$0x2], $0x80, v3, vm0, $0xb8;
	[tilespmem:$0x1C100] =	vst v63  }
0xb3: {  	_ = 	snop  }
0xb4: {  	[hbm4b:s6+s3] =	stream.indirect_vreg.scatter [tilespmem:s17], [sflag:$0x2], $0x80, v3, vm0, $0xb8;
	[tilespmem:$0x1C100] =	vst v63  }
0xb5: {  	v3 =	vld [tilespmem:$0xA0];
	_ =	sdelay $0x4  }
0xb6: {  	v62 =	vshrl.u32 v3, $0x3  }
0xb7: {  	v4 =	vmul.u32 $0x30, v62  }
0xb8: {  	v3 =	vand.u32 $0x7, v3  }
0xb9: {  	v3 =	vor.u32 v3, v4  }
0xba: {  	v4 =	vperm.xlane v3, v0;
	_ =	sdelay $0x1  }
0xbb: {  	v4 =	vadd.s32 v1, v4;
	_ =	sdelay $0x3  }
0xbc: {  	v3 =	vperm.xlane v3, v2  }
0xbd: {  	[hbm4b:s4+s3] =	stream.indirect_vreg.scatter [tilespmem:s18], [sflag:$0x2], $0x80, v4, vm0, $0xb8;
	[tilespmem:$0x1C100] =	vst v63  }
0xbe: {  	v3 =	vadd.s32 v1, v3  }
0xbf: {  	[hbm4b:s5+s3] =	stream.indirect_vreg.scatter [tilespmem:s19], [sflag:$0x2], $0x80, v4, vm0, $0xb8;
	[tilespmem:$0x1C100] =	vst v63  }
0xc0: {  	_ = 	snop  }
0xc1: {  	[hbm4b:s6+s3] =	stream.indirect_vreg.scatter [tilespmem:s20], [sflag:$0x2], $0x80, v4, vm0, $0xb8;
	[tilespmem:$0x1C100] =	vst v63  }
0xc2: {  	_ = 	snop  }
0xc3: {  	[hbm4b:s4+s3] =	stream.indirect_vreg.scatter [tilespmem:s21], [sflag:$0x2], $0x80, v3, vm0, $0xb8;
	[tilespmem:$0x1C100] =	vst v63  }
0xc4: {  	_ = 	snop  }
0xc5: {  	[hbm4b:s5+s3] =	stream.indirect_vreg.scatter [tilespmem:s22], [sflag:$0x2], $0x80, v3, vm0, $0xb8;
	[tilespmem:$0x1C100] =	vst v63  }
0xc6: {  	_ = 	snop  }
0xc7: {  	[hbm4b:s6+s3] =	stream.indirect_vreg.scatter [tilespmem:s23], [sflag:$0x2], $0x80, v3, vm0, $0xb8;
	[tilespmem:$0x1C100] =	vst v63  }
0xc8: {  	v3 =	vld [tilespmem:$0xB0];
	_ =	sdelay $0x4  }
0xc9: {  	v63 =	vshrl.u32 v3, $0x3  }
0xca: {  	v4 =	vmul.u32 $0x30, v63  }
0xcb: {  	v3 =	vand.u32 $0x7, v3  }
0xcc: {  	v3 =	vor.u32 v3, v4  }
0xcd: {  	v4 =	vperm.xlane v3, v0;
	_ =	sdelay $0x1  }
0xce: {  	v4 =	vadd.s32 v1, v4;
	_ =	sdelay $0x3  }
0xcf: {  	v3 =	vperm.xlane v3, v2  }
0xd0: {  	[hbm4b:s4+s3] =	stream.indirect_vreg.scatter [tilespmem:s24], [sflag:$0x2], $0x80, v4, vm0, $0xb8;
	[tilespmem:$0x1C100] =	vst v63  }
0xd1: {  	v3 =	vadd.s32 v1, v3  }
0xd2: {  	[hbm4b:s5+s3] =	stream.indirect_vreg.scatter [tilespmem:s25], [sflag:$0x2], $0x80, v4, vm0, $0xb8;
	[tilespmem:$0x1C100] =	vst v63  }
0xd3: {  	_ = 	snop  }
0xd4: {  	[hbm4b:s6+s3] =	stream.indirect_vreg.scatter [tilespmem:s26], [sflag:$0x2], $0x80, v4, vm0, $0xb8;
	[tilespmem:$0x1C100] =	vst v63  }
0xd5: {  	_ = 	snop  }
0xd6: {  	[hbm4b:s4+s3] =	stream.indirect_vreg.scatter [tilespmem:s28], [sflag:$0x2], $0x80, v3, vm0, $0xb8;
	[tilespmem:$0x1C100] =	vst v63  }
0xd7: {  	_ = 	snop  }
0xd8: {  	[hbm4b:s5+s3] =	stream.indirect_vreg.scatter [tilespmem:s29], [sflag:$0x2], $0x80, v3, vm0, $0xb8;
	[tilespmem:$0x1C100] =	vst v63  }
0xd9: {  	_ = 	snop  }
0xda: {  	[hbm4b:s6+s3] =	stream.indirect_vreg.scatter [tilespmem:s30], [sflag:$0x2], $0x80, v3, vm0, $0xb8;
	[tilespmem:$0x1C100] =	vst v63  }
0xdb: {  	_ = 	snop  }
0xdc: {  	[hbm4b:s2+s31] =	stream.indirect.scatter [tilespmem:s10], [sflag:$0x3], $0x80, s3, s31, $0xb8;
	[tilespmem:$0x1C100] =	vst v63  }
0xdd: {  	_ = 	snop  }
0xde: {  	[hbm4b:s2+s31] =	stream.indirect.scatter [tilespmem:s1], [sflag:$0x4], $0x80, s8, s31, $0xb8;
	[tilespmem:$0x1C100] =	vst v63  }
0xdf: {  	_ =	swait.ge [sflag:s11], $0xC000  }
0xe0: {  	[sflag:s11] =	ssyncset.done $0x0  }
0xe1: {  	[sflag:s11] =	ssyncadd.s32 $0xFFFF4000  }
0xe2: {  	_ =	swait.ge [sflag:s13], $0xC000  }
0xe3: {  	[sflag:s13] =	ssyncset.done $0x0  }
0xe4: {  	[sflag:s13] =	ssyncadd.s32 $0xFFFF4000  }
0xe5: {  	p0 =	sne.s32 s7, $0x1;
	_ =	swait.ge [sflag:s14], $0x2000  }
.Ltmp0:
0xe6: {  	[sflag:s14] =	ssyncset.done $0x0;
	(pc) =	sbr.rel @p0 .LBB2_1-.Ltmp0, $4  }
0xe7: {  	[sflag:s14] =	ssyncadd.s32 $0xFFFFE000  }
0xe8: {  	_ =	swait.ge [sflag:s12], $0x2000  }
0xe9: {  	[sflag:s12] =	ssyncset.done $0x0  }
0xea: {  	s7 =	sadd.s32 $0xFFFFFFFF, s7;
	[sflag:s12] =	ssyncadd.s32 $0xFFFFE000  }
0xeb: {  	_ =	sfence.sel $0x180000  }
0xec: {  	[bflag:$0x0] =	sbarrier.arrive $0xFFFF  }
0xed: {  	_ =	strace $0x90000047  }
0xee: {  	s0 =	stileid.u32;
	[bflag:$0x2] =	sbarrier.arrive $0xFFFF  }
0xef: {  	p0 =	sne.s32 s0, $0x0;
	s0 =	rddreg [dreg:$0x3]  }
0xf0: {  	s0 =	sadd.s32 @!p0 $0x100000, s0  }
0xf1: {  	[sflag:s0] =	ssyncadd.tile.s32 @!p0 $0x1;
	_ =	shalt  }
.Lfunc_end2:
_tile_overlayer_lowered:
.L_overlay_start_2:
0xf2: {  	(tag) =	ssettag $0x2  }
0xf3: {  	s0 =	rddreg [dreg:$0x0];
	s2 =	stileid.u32  }
0xf4: {  	s1 =	rddreg [dreg:$0x1];
	p0 =	sne.s32 s2, $0x0  }
0xf5: {  	s3 =	rddreg [dreg:$0x2];
	[bflag:$0x3] =	sbarrier.arrive $0xFFFF;
	s2 =	simm.s32 @!p0 $0x1C05  }
0xf6: {  	[timem:s3], [sflag:s2] =	dma.local @!p0 [hbm:s0], s1  }
0xf7: {  	s0 =	simm.s32 @!p0 $0x5  }
0xf8: {  	_ =	swait.ge @!p0 [sflag:s0], s1  }
0xf9: {  	s1 =	ssub.s32 @!p0 $0x0, s1;
	[sflag:s0] =	ssyncset.done @!p0 $0x0  }
0xfa: {  	[sflag:s0] =	ssyncadd.s32 @!p0 s1  }
0xfb: {  	[bflag:$0x3] =	sbarrier.arrive $0xFFFF  }
0xfc: {  	_ =	shalt  }

// kernel: kernel.9.cloned.1.call-start
scs
__scs_entry_jumppad:
0x0: {  	(pc) =	sbr.rel $0x88, $3  }
0x1: {  	(tag) =	ssettag $0x0;
	lr =	simm.s32 $0x1  }
0x2: {  	[smem:$0x3F9C] =	sst lr;
	_ =	strace $0xD0000000  }
0x3: {  	_ = 	snop  }
0x4: {  	_ = 	snop  }
0x5: {  	_ = 	snop  }
0x6: {  	_ = 	snop  }
0x7: {  	_ = 	snop  }
__scs_overlays_trampoline_lowered:
0x8: {  	[smem:$0x3FAB] =	sst s0  }
0x9: {  	[smem:$0x3FAC] =	sst s1  }
0xa: {  	[smem:$0x3FAD] =	sst s2  }
0xb: {  	[smem:$0x3FAE] =	sst s3  }
0xc: {  	[smem:$0x3FAF] =	sst s4  }
0xd: {  	[smem:$0x3FB0] =	sst s5  }
0xe: {  	[smem:$0x3FB1] =	sst s6  }
0xf: {  	[smem:$0x3FB2] =	sst s7  }
0x10: {  	[smem:$0x3FB3] =	sst s8  }
0x11: {  	[smem:$0x3FB4] =	sst s9;
	s0 =	simm.s32 @!p0 $0x0  }
0x12: {  	s1 =	sld [smem:$0x3F9A];
	s0 =	simm.s32 @p0 $0x1  }
0x13: {  	[smem:$0x3FB5] =	sst s0;
	s0 =	simm.s32 @!p1 $0x0  }
0x14: {  	s2 =	sld [smem:$0x3F99];
	s0 =	simm.s32 @p1 $0x1  }
0x15: {  	[smem:$0x3FB6] =	sst s0;
	s0 =	simm.s32 @!p2 $0x0  }
0x16: {  	s3 =	sld [smem:$0x3FDB];
	s0 =	simm.s32 @p2 $0x1  }
0x17: {  	s4 =	simm.s32 $0x1BF5;
	[smem:$0x3FB8] =	sst s0  }
0x18: {  	s0 =	sld [smem:$0x3F9B];
	_ =	swait.ge [sflag:s4], $0x0  }
0x19: {  	s7 =	sld [smem:$0x3F9C]  }
0x1a: {  	s8 =	sadd.s32 $0xFFFFE003, lr  }
0x1b: {  	s9 =	sadd.s32 $0xFFFFFEF7, lr;
	s5 =	simm.s32 $0xFFFFFFFF;
	p2 =	slt.u32 s8, $0xFFFFF086  }
0x1c: {  	p1 =	slt.u32 s9, $0xF7A;
	s5 =	simm.s32 @!p2 $0x0  }
0x1d: {  	s5 =	simm.s32 @p1 $0x1;
	p0 =	seq.s32 s7, s2  }
0x1e: {  	s7 =	smul.u32 @!p0 $0xF7A, s2;
	p2 =	seq.s32 @!p0 s5, $0x0  }
0x1f: {  	s9 =	smul.u32 $0xF7A, s1;
	s8 =	simm.s32 @!p0 $0x1BF5;
	p2 =	por !p2, p0  }
0x20: {  	[sflag:s8] =	ssyncset.s32 @!p0 $0xFFFFF086;
	s6 =	sadd.s32 @!p0 s3, s7;
	s7 =	simm.s32 @!p0 $0x108  }
0x21: {  	s3 =	sadd.s32 s3, s9;
	s6 =	sadd.s32 @!p0 $0x88, s6;
	s7 =	simm.s32 @p2 $0x1082  }
0x22: {  	[simem:s7], [sflag:s8] =	dma.local @!p0 [hbm:s6], $0xF7A  }
0x23: {  	s9 =	sor.u32 $0xD0000000, s2;
	s6 =	simm.s32 $0x108;
	_ =	swait.ge @!p0 [sflag:s8], $0x0  }
0x24: {  	s3 =	sadd.s32 $0x88, s3;
	s6 =	simm.s32 @!p1 $0x1082;
	[sflag:s4] =	ssyncset.s32 $0xFFFFF086  }
0x25: {  	[simem:s6], [sflag:s4] =	dma.local [hbm:s3], $0xF7A  }
0x26: {  	[smem:$0x3F9C] =	sst s1;
	(tag) =	ssettag s2;
	_ =	strace s9  }
0x27: {  	s1 =	sld [smem:$0x3FAC]  }
0x28: {  	s2 =	sld [smem:$0x3FAD]  }
0x29: {  	s4 =	sld [smem:$0x3FAF]  }
0x2a: {  	p0 =	seq.s32 s5, $0x0;
	s5 =	sld [smem:$0x3FB0]  }
0x2b: {  	s6 =	sld [smem:$0x3FB1]  }
0x2c: {  	s7 =	sld [smem:$0x3FB2]  }
0x2d: {  	s3 =	simm.s32 $0x108;
	s8 =	sld [smem:$0x3FB3]  }
0x2e: {  	s3 =	simm.s32 @!p0 $0x1082;
	s9 =	sld [smem:$0x3FB4]  }
0x2f: {  	lr =	sadd.s32 s0, s3;
	s0 =	sld [smem:$0x3FAB]  }
0x30: {  	s3 =	sld [smem:$0x3FAE]  }
0x31: {  	[smem:$0x3FB7] =	sst s10  }
0x32: {  	s10 =	sld [smem:$0x3FB5];
	_ =	sdelay $0x3  }
0x33: {  	p0 =	seq.s32 s10, $0x1;
	s10 =	sld [smem:$0x3FB7];
	_ =	sdelay $0x3  }
0x34: {  	[smem:$0x3FB7] =	sst s10  }
0x35: {  	s10 =	sld [smem:$0x3FB6];
	_ =	sdelay $0x3  }
0x36: {  	p1 =	seq.s32 s10, $0x1;
	s10 =	sld [smem:$0x3FB7];
	_ =	sdelay $0x3  }
0x37: {  	[smem:$0x3FB7] =	sst s10  }
0x38: {  	s10 =	sld [smem:$0x3FB8]  }
0x39: {  	_ = 	snop;
	(pc) =	sbr.ind lr, $3  }
0x3a: {  	_ = 	snop  }
0x3b: {  	_ = 	snop  }
0x3c: {  	p2 =	seq.s32 s10, $0x1;
	s10 =	sld [smem:$0x3FB7]  }
0x3d: {  	_ =	shalt  }
0x3e: {  	_ =	shalt  }
0x3f: {  	_ =	shalt  }
0x40: {  	_ =	shalt  }
0x41: {  	_ =	shalt  }
0x42: {  	_ =	shalt  }
0x43: {  	_ =	shalt  }
0x44: {  	_ =	shalt  }
0x45: {  	_ =	shalt  }
0x46: {  	_ =	shalt  }
0x47: {  	_ =	shalt  }
0x48: {  	_ =	shalt  }
0x49: {  	_ =	shalt  }
0x4a: {  	_ =	shalt  }
0x4b: {  	_ =	shalt  }
0x4c: {  	_ =	shalt  }
0x4d: {  	_ =	shalt  }
0x4e: {  	_ =	shalt  }
0x4f: {  	_ =	shalt  }
0x50: {  	_ =	shalt  }
0x51: {  	_ =	shalt  }
0x52: {  	_ =	shalt  }
0x53: {  	_ =	shalt  }
0x54: {  	_ =	shalt  }
0x55: {  	_ =	shalt  }
0x56: {  	_ =	shalt  }
0x57: {  	_ =	shalt  }
0x58: {  	_ =	shalt  }
0x59: {  	_ =	shalt  }
0x5a: {  	_ =	shalt  }
0x5b: {  	_ =	shalt  }
0x5c: {  	_ =	shalt  }
0x5d: {  	_ =	shalt  }
0x5e: {  	_ =	shalt  }
0x5f: {  	_ =	shalt  }
0x60: {  	_ =	shalt  }
0x61: {  	_ =	shalt  }
0x62: {  	_ =	shalt  }
0x63: {  	_ =	shalt  }
0x64: {  	_ =	shalt  }
0x65: {  	_ =	shalt  }
0x66: {  	_ =	shalt  }
0x67: {  	_ =	shalt  }
0x68: {  	_ =	shalt  }
0x69: {  	_ =	shalt  }
0x6a: {  	_ =	shalt  }
0x6b: {  	_ =	shalt  }
0x6c: {  	_ =	shalt  }
0x6d: {  	_ =	shalt  }
0x6e: {  	_ =	shalt  }
0x6f: {  	_ =	shalt  }
0x70: {  	_ =	shalt  }
0x71: {  	_ =	shalt  }
0x72: {  	_ =	shalt  }
0x73: {  	_ =	shalt  }
0x74: {  	_ =	shalt  }
0x75: {  	_ =	shalt  }
0x76: {  	_ =	shalt  }
0x77: {  	_ =	shalt  }
0x78: {  	_ =	shalt  }
0x79: {  	_ =	shalt  }
0x7a: {  	_ =	shalt  }
0x7b: {  	_ =	shalt  }
0x7c: {  	_ =	shalt  }
0x7d: {  	_ =	shalt  }
0x7e: {  	_ =	shalt  }
0x7f: {  	_ =	shalt  }
0x80: {  	_ =	shalt  }
0x81: {  	_ =	shalt  }
0x82: {  	_ =	shalt  }
0x83: {  	_ =	shalt  }
0x84: {  	_ =	shalt  }
0x85: {  	_ =	shalt  }
0x86: {  	_ =	shalt  }
0x87: {  	_ =	shalt  }
.Lfunc_end0:
.L_simem_size_0:
called_computation.1_lowered:
.L_overlay_start_0:
0x88: {  	s2 =	sld [smem:$0x3FD9]  }
0x89: {  	s3 =	sld [smem:$0x3FFE];
	_ =	sdelay $0x1  }
0x8a: {  	s1 =	srdreg.scid  }
0x8b: {  	s0 =	sand.u32 $0x1, s1  }
0x8c: {  	s17 =	sshll.u32 s0, $0xA;
	s2 =	sadd.s32 s3, s2  }
0x8d: {  	s2 =	sadd.s32 s2, s17  }
0x8e: {  	[smem:$0x3FC3] =	sst s2  }
0x8f: {  	_ = 	snop  }
0x90: {  	s2 =	sld [smem:$0x3FD0];
	(tm) =	ssettm $0x1  }
0x91: {  	s18 =	sld [smem:$0x3FFB];
	_ =	sdelay $0x3  }
0x92: {  	_ =	strace s18  }
0x93: {  	s3 =	sld [smem:$0x3FFC];
	_ =	sdelay $0x3  }
0x94: {  	_ =	strace s3  }
0x95: {  	s3 =	sld [smem:$0x3FFD];
	_ =	sdelay $0x3  }
0x96: {  	_ =	strace s3  }
0x97: {  	_ =	strace $0x8FFFFFFF  }
0x98: {  	s19 =	sld [smem:$0x3FDB];
	_ =	sdelay $0x1  }
0x99: {  	s4 =	simm.s32 $_scs_section_size  }
0x9a: {  	s5 =	simm.s32 $_size__tile_overlayer_lowered;
	s6 =	simm.s32 $_tile_overlayer_lowered  }
0x9b: {  	s22 =	simm.s32 $0x1BFF;
	s21 =	sshll.u32 s6, $0x1;
	s3 =	sadd.s32 s4, s19  }
0x9c: {  	s7 =	simm.s32 $0x0;
	s20 =	sshll.u32 s5, $0x1;
	s5 =	sadd.s32 s21, s3  }
0x9d: {  	[timem:s7], [sflag:s22] =	dma.local [hbm:s5], s20  }
0x9e: {  	_ =	swait.ge [sflag:s22], s20  }
0x9f: {  	s4 =	ssub.s32 $0x0, s20;
	[sflag:s22] =	ssyncset.done $0x0  }
0xa0: {  	[sflag:s22] =	ssyncadd.s32 s4;
	_ =	sdelay $0x1  }
0xa1: {  	s23 =	simm.s32 $0x1B8B  }
0xa2: {  	_ =	swait.ge [sflag:s23], $0x1  }
0xa3: {  	[sflag:s23] =	ssyncset.done $0x0  }
0xa4: {  	s25 =	simm.s32 $0x1B8E;
	s24 =	sld [smem:$0x3FFE];
	[sflag:s23] =	ssyncadd.s32 $0xFFFFFFFF  }
0xa5: {  	s26 =	simm.s32 $execute0_lowered;
	[smem:$0x3FD2] =	sst s25  }
0xa6: {  	s5 =	sshll.u32 s26, $0x1;
	_ =	strace $0x80000049;
	[dreg:$0x1] =	wrdreg $0xFFFFFFFF  }
0xa7: {  	s28 =	simm.s32 $_size_execute0_lowered;
	s3 =	sadd.s32 s3, s5;
	[dreg:$0x0] =	wrdreg $0x0  }
0xa8: {  	s5 =	sshll.u32 s28, $0x1;
	[dreg:$0x2] =	wrdreg s3  }
0xa9: {  	[dreg:$0x3] =	wrdreg s5  }
0xaa: {  	[dreg:$0x4] =	wrdreg $0xC0  }
0xab: {  	_ =	task [dreg:s7], $0x5FFFF  }
0xac: {  	[dreg:$0x1] =	wrdreg $0xFFFFFFFF  }
0xad: {  	[dreg:$0x0] =	wrdreg $0x60  }
0xae: {  	[dreg:$0x2] =	wrdreg s24  }
0xaf: {  	[dreg:$0x3] =	wrdreg s2  }
0xb0: {  	[dreg:$0x4] =	wrdreg $0x9  }
0xb1: {  	_ =	task.clear_ibuf [dreg:s7], $0x5FFFF;
	_ =	strace $0x90000049  }
0xb2: {  	s29 =	simm.s32 $0x9;
	_ =	strace $0x8000004B  }
0xb3: {  	_ =	swait.ge [sflag:s29], $0x1  }
0xb4: {  	[sflag:s29] =	ssyncadd.s32 $0xFFFFFFFF  }
0xb5: {  	_ =	strace $0x9000004B  }
0xb6: {  	_ =	sfence  }
0xb7: {  	s30 =	sld [smem:$0x0];
	_ =	sdelay $0x2  }
0xb8: {  	s31 =	sshll.u32 s1, $0xD;
	s1 =	sshrl.u32 s1, $0x2  }
0xb9: {  	s3 =	sand.u32 $0x4000, s31;
	s1 =	sadd.s32 s1, s30  }
0xba: {  	s0 =	sor.u32 s3, s0;
	s1 =	sshll.u32 s1, $0x11  }
0xbb: {  	s0 =	sor.u32 s1, s0  }
0xbc: {  	s0 =	sadd.s32 $0x8F2B, s0  }
0xbd: {  	[sflag:s0] =	ssyncadd.remote.s32 $0x1  }
0xbe: {  	_ =	sfence.sel $0xFFFF  }
0xbf: {  	[dreg:$0x0] =	wrdreg $0xFFFFFFFF;
	(pc) =	sbr.abs _section_cstart, $3  }
0xc0: {  	[dreg:$0x1] =	wrdreg $0xFFFFFFFF  }
0xc1: {  	_ =	task.clear_ibuf [dreg:s7], $0x2FFFF;
	_ =	strace $0x9FFFFFFF  }
0xc2: {  	(tm) =	ssettm $0x7FFFFFFF  }
0xc3: {  	_ =	shalt  }
tec
execute0_lowered:
.L_overlay_start_1:
0x0: {  	(tag) =	ssettag $0x1  }
0x1: {  	s0 =	rddreg [dreg:$0x0]  }
0x2: {  	s1 =	rddreg [dreg:$0x1]  }
0x3: {  	s3 =	srdreg.scid;
	s2 =	simm.s32 $0x0;
	s4 =	stileid.u32  }
0x4: {  	s12 =	simm.s32 $0x1;
	s13 =	simm.s32 $0x2;
	s14 =	simm.s32 $0x100  }
0x5: {  	s19 =	simm.s32 $0x6100;
	s17 =	simm.s32 $0x14900;
	s18 =	simm.s32 $0x15100  }
0x6: {  	s20 =	simm.s32 $0x15900;
	s21 =	simm.s32 $0x16100;
	s22 =	simm.s32 $0x16900  }
0x7: {  	s23 =	simm.s32 $0x17100;
	s24 =	simm.s32 $0x17900;
	s25 =	simm.s32 $0x3  }
0x8: {  	s26 =	simm.s32 $0x4;
	s28 =	simm.s32 $0x0;
	s3 =	sand.u32 $0x1, s3  }
0x9: {  	[smem:$0x7FF] =	sst s2;
	s4 =	sshll.u32 s4, $0x4;
	s5 =	sshll.u32 s3, $0x3  }
0xa: {  	_ =	strace $0x8000004A;
	s30 =	ssub.s32 $0x2, s3;
	s6 =	sor.u32 s5, s4  }
0xb: {  	s3 =	sadd.s32 $0x131800, s0;
	s7 =	sshrl.u32 s30, $0x1;
	s8 =	smul.u32 $0x1800, s6  }
0xc: {  	s5 =	sadd.s32 s6, s0;
	s10 =	ssub.s32 s30, s7;
	s9 =	smul.u32 $0x300, s6  }
0xd: {  	v2 =	vlaneseq.u32;
	s6 =	sadd.s32 $0x131900, s0;
	s7 =	sadd.s32 $0x131A00, s0;
	s8 =	sshrl.u32 s8, $0x3  }
0xe: {  	vm0 =	vmmov $0xffff;
	v1 =	vshrl.u32 v2, $0x3;
	s4 =	sadd.s32 $0x11600, s5;
	s5 =	sadd.s32 $0x11700, s5;
	s31 =	sadd.s32 s1, s8  }
0xf: {  	v0 =	vand.u32 $0x7, v2;
	v2 =	vor.u32 $0x8, v2;
	v1 =	vmul.u32 $0x8, v1;
	s10 =	smax.u32 s10, $0x1;
	s8 =	sadd.s32 s1, s9;
	s9 =	sadd.s32 $0xC00, s31  }
.LBB2_1:
0x10: {  	[tilespmem:s2], [sflag:$0x1] =	stream.linear.gather [hbm4b:s4+s2], $0x40, $0x38;
	[tilespmem:$0x18100] =	vst v63  }
0x11: {  	s0 =	simm.s32 $0x80  }
0x12: {  	[tilespmem:s0], [sflag:$0x2] =	stream.linear.gather [hbm4b:s5+s2], $0x40, $0x38;
	[tilespmem:$0x18100] =	vst v63  }
0x13: {  	_ =	swait.ge [sflag:s12], $0x40  }
0x14: {  	[sflag:s12] =	ssyncset.done $0x0  }
0x15: {  	[sflag:s12] =	ssyncadd.s32 $0xFFFFFFC0  }
0x16: {  	_ =	swait.ge [sflag:s13], $0x40  }
0x17: {  	[sflag:s13] =	ssyncset.done $0x0  }
0x18: {  	[sflag:s13] =	ssyncadd.s32 $0xFFFFFFC0  }
0x19: {  	v3 =	vld [tilespmem:$0x0];
	_ =	sdelay $0x4  }
0x1a: {  	v4 =	vshrl.u32 v3, $0x3  }
0x1b: {  	v4 =	vmul.u32 $0x30, v4  }
0x1c: {  	v3 =	vand.u32 $0x7, v3  }
0x1d: {  	v3 =	vor.u32 v3, v4  }
0x1e: {  	v4 =	vperm.xlane v3, v0;
	_ =	sdelay $0x1  }
0x1f: {  	v4 =	vadd.s32 v1, v4;
	_ =	sdelay $0x3  }
0x20: {  	v3 =	vperm.xlane v3, v2  }
0x21: {  	[tilespmem:s14], [sflag:$0x1] =	stream.indirect_vreg.gather [hbm4b:s3+s2], $0x80, v4, vm0, $0xb8;
	[tilespmem:$0x18100] =	vst v63  }
0x22: {  	s16 =	simm.s32 $0x900;
	v3 =	vadd.s32 v1, v3  }
0x23: {  	[tilespmem:s16], [sflag:$0x1] =	stream.indirect_vreg.gather [hbm4b:s6+s2], $0x80, v4, vm0, $0xb8;
	[tilespmem:$0x18100] =	vst v63  }
0x24: {  	s30 =	simm.s32 $0x1100  }
0x25: {  	[tilespmem:s30], [sflag:$0x1] =	stream.indirect_vreg.gather [hbm4b:s7+s2], $0x80, v4, vm0, $0xb8;
	[tilespmem:$0x18100] =	vst v63  }
0x26: {  	s31 =	simm.s32 $0x1900  }
0x27: {  	[tilespmem:s31], [sflag:$0x1] =	stream.indirect_vreg.gather [hbm4b:s3+s2], $0x80, v3, vm0, $0xb8;
	[tilespmem:$0x18100] =	vst v63  }
0x28: {  	s1 =	simm.s32 $0x2100  }
0x29: {  	[tilespmem:s1], [sflag:$0x1] =	stream.indirect_vreg.gather [hbm4b:s6+s2], $0x80, v3, vm0, $0xb8;
	[tilespmem:$0x18100] =	vst v63  }
0x2a: {  	s11 =	simm.s32 $0x2900  }
0x2b: {  	[tilespmem:s11], [sflag:$0x1] =	stream.indirect_vreg.gather [hbm4b:s7+s2], $0x80, v3, vm0, $0xb8;
	[tilespmem:$0x18100] =	vst v63  }
0x2c: {  	v3 =	vld [tilespmem:$0x10];
	_ =	sdelay $0x4  }
0x2d: {  	v57 =	vshrl.u32 v3, $0x3  }
0x2e: {  	v4 =	vmul.u32 $0x30, v57  }
0x2f: {  	v3 =	vand.u32 $0x7, v3  }
0x30: {  	v3 =	vor.u32 v3, v4  }
0x31: {  	v4 =	vperm.xlane v3, v0;
	_ =	sdelay $0x1  }
0x32: {  	v4 =	vadd.s32 v1, v4;
	_ =	sdelay $0x3  }
0x33: {  	s15 =	simm.s32 $0x3100;
	v3 =	vperm.xlane v3, v2  }
0x34: {  	[tilespmem:s15], [sflag:$0x1] =	stream.indirect_vreg.gather [hbm4b:s3+s2], $0x80, v4, vm0, $0xb8;
	[tilespmem:$0x18100] =	vst v63  }
0x35: {  	s16 =	simm.s32 $0x3900;
	v3 =	vadd.s32 v1, v3  }
0x36: {  	[tilespmem:s16], [sflag:$0x1] =	stream.indirect_vreg.gather [hbm4b:s6+s2], $0x80, v4, vm0, $0xb8;
	[tilespmem:$0x18100] =	vst v63  }
0x37: {  	s30 =	simm.s32 $0x4100  }
0x38: {  	[tilespmem:s30], [sflag:$0x1] =	stream.indirect_vreg.gather [hbm4b:s7+s2], $0x80, v4, vm0, $0xb8;
	[tilespmem:$0x18100] =	vst v63  }
0x39: {  	s31 =	simm.s32 $0x4900  }
0x3a: {  	[tilespmem:s31], [sflag:$0x1] =	stream.indirect_vreg.gather [hbm4b:s3+s2], $0x80, v3, vm0, $0xb8;
	[tilespmem:$0x18100] =	vst v63  }
0x3b: {  	s1 =	simm.s32 $0x5100  }
0x3c: {  	[tilespmem:s1], [sflag:$0x1] =	stream.indirect_vreg.gather [hbm4b:s6+s2], $0x80, v3, vm0, $0xb8;
	[tilespmem:$0x18100] =	vst v63  }
0x3d: {  	s11 =	simm.s32 $0x5900  }
0x3e: {  	[tilespmem:s11], [sflag:$0x1] =	stream.indirect_vreg.gather [hbm4b:s7+s2], $0x80, v3, vm0, $0xb8;
	[tilespmem:$0x18100] =	vst v63  }
0x3f: {  	v3 =	vld [tilespmem:$0x80];
	_ =	sdelay $0x4  }
0x40: {  	v58 =	vshrl.u32 v3, $0x3  }
0x41: {  	v4 =	vmul.u32 $0x30, v58  }
0x42: {  	v3 =	vand.u32 $0x7, v3  }
0x43: {  	v3 =	vor.u32 v3, v4  }
0x44: {  	v4 =	vperm.xlane v3, v0;
	_ =	sdelay $0x1  }
0x45: {  	v4 =	vadd.s32 v1, v4;
	_ =	sdelay $0x3  }
0x46: {  	s15 =	simm.s32 $0xC100;
	v3 =	vperm.xlane v3, v2  }
0x47: {  	[tilespmem:s15], [sflag:$0x2] =	stream.indirect_vreg.gather [hbm4b:s3+s2], $0x80, v4, vm0, $0xb8;
	[tilespmem:$0x18100] =	vst v63  }
0x48: {  	s16 =	simm.s32 $0xC900;
	v3 =	vadd.s32 v1, v3  }
0x49: {  	[tilespmem:s16], [sflag:$0x2] =	stream.indirect_vreg.gather [hbm4b:s6+s2], $0x80, v4, vm0, $0xb8;
	[tilespmem:$0x18100] =	vst v63  }
0x4a: {  	s30 =	simm.s32 $0xD100  }
0x4b: {  	[tilespmem:s30], [sflag:$0x2] =	stream.indirect_vreg.gather [hbm4b:s7+s2], $0x80, v4, vm0, $0xb8;
	[tilespmem:$0x18100] =	vst v63  }
0x4c: {  	s31 =	simm.s32 $0xD900  }
0x4d: {  	[tilespmem:s31], [sflag:$0x2] =	stream.indirect_vreg.gather [hbm4b:s3+s2], $0x80, v3, vm0, $0xb8;
	[tilespmem:$0x18100] =	vst v63  }
0x4e: {  	s1 =	simm.s32 $0xE100  }
0x4f: {  	[tilespmem:s1], [sflag:$0x2] =	stream.indirect_vreg.gather [hbm4b:s6+s2], $0x80, v3, vm0, $0xb8;
	[tilespmem:$0x18100] =	vst v63  }
0x50: {  	s11 =	simm.s32 $0xE900  }
0x51: {  	[tilespmem:s11], [sflag:$0x2] =	stream.indirect_vreg.gather [hbm4b:s7+s2], $0x80, v3, vm0, $0xb8;
	[tilespmem:$0x18100] =	vst v63  }
0x52: {  	v3 =	vld [tilespmem:$0x90];
	_ =	sdelay $0x4  }
0x53: {  	v59 =	vshrl.u32 v3, $0x3  }
0x54: {  	v4 =	vmul.u32 $0x30, v59  }
0x55: {  	v3 =	vand.u32 $0x7, v3  }
0x56: {  	v3 =	vor.u32 v3, v4  }
0x57: {  	v4 =	vperm.xlane v3, v0;
	_ =	sdelay $0x1  }
0x58: {  	v4 =	vadd.s32 v1, v4;
	_ =	sdelay $0x3  }
0x59: {  	s15 =	simm.s32 $0xF100;
	v3 =	vperm.xlane v3, v2  }
0x5a: {  	[tilespmem:s15], [sflag:$0x2] =	stream.indirect_vreg.gather [hbm4b:s3+s2], $0x80, v4, vm0, $0xb8;
	[tilespmem:$0x18100] =	vst v63  }
0x5b: {  	s16 =	simm.s32 $0xF900;
	v3 =	vadd.s32 v1, v3  }
0x5c: {  	[tilespmem:s16], [sflag:$0x2] =	stream.indirect_vreg.gather [hbm4b:s6+s2], $0x80, v4, vm0, $0xb8;
	[tilespmem:$0x18100] =	vst v63  }
0x5d: {  	s30 =	simm.s32 $0x10100  }
0x5e: {  	[tilespmem:s30], [sflag:$0x2] =	stream.indirect_vreg.gather [hbm4b:s7+s2], $0x80, v4, vm0, $0xb8;
	[tilespmem:$0x18100] =	vst v63  }
0x5f: {  	s31 =	simm.s32 $0x10900  }
0x60: {  	[tilespmem:s31], [sflag:$0x2] =	stream.indirect_vreg.gather [hbm4b:s3+s2], $0x80, v3, vm0, $0xb8;
	[tilespmem:$0x18100] =	vst v63  }
0x61: {  	s1 =	simm.s32 $0x11100  }
0x62: {  	[tilespmem:s1], [sflag:$0x2] =	stream.indirect_vreg.gather [hbm4b:s6+s2], $0x80, v3, vm0, $0xb8;
	[tilespmem:$0x18100] =	vst v63  }
0x63: {  	s11 =	simm.s32 $0x11900  }
0x64: {  	[tilespmem:s11], [sflag:$0x2] =	stream.indirect_vreg.gather [hbm4b:s7+s2], $0x80, v3, vm0, $0xb8;
	[tilespmem:$0x18100] =	vst v63  }
0x65: {  	v3 =	vld [tilespmem:$0x20];
	_ =	sdelay $0x4  }
0x66: {  	v60 =	vshrl.u32 v3, $0x3  }
0x67: {  	v4 =	vmul.u32 $0x30, v60  }
0x68: {  	v3 =	vand.u32 $0x7, v3  }
0x69: {  	v3 =	vor.u32 v3, v4  }
0x6a: {  	v4 =	vperm.xlane v3, v0;
	_ =	sdelay $0x1  }
0x6b: {  	v4 =	vadd.s32 v1, v4;
	_ =	sdelay $0x3  }
0x6c: {  	v3 =	vperm.xlane v3, v2  }
0x6d: {  	[tilespmem:s19], [sflag:$0x3] =	stream.indirect_vreg.gather [hbm4b:s3+s2], $0x80, v4, vm0, $0xb8;
	[tilespmem:$0x18100] =	vst v63  }
0x6e: {  	s15 =	simm.s32 $0x6900;
	v3 =	vadd.s32 v1, v3  }
0x6f: {  	[tilespmem:s15], [sflag:$0x3] =	stream.indirect_vreg.gather [hbm4b:s6+s2], $0x80, v4, vm0, $0xb8;
	[tilespmem:$0x18100] =	vst v63  }
0x70: {  	s16 =	simm.s32 $0x7100  }
0x71: {  	[tilespmem:s16], [sflag:$0x3] =	stream.indirect_vreg.gather [hbm4b:s7+s2], $0x80, v4, vm0, $0xb8;
	[tilespmem:$0x18100] =	vst v63  }
0x72: {  	s30 =	simm.s32 $0x7900  }
0x73: {  	[tilespmem:s30], [sflag:$0x3] =	stream.indirect_vreg.gather [hbm4b:s3+s2], $0x80, v3, vm0, $0xb8;
	[tilespmem:$0x18100] =	vst v63  }
0x74: {  	s31 =	simm.s32 $0x8100  }
0x75: {  	[tilespmem:s31], [sflag:$0x3] =	stream.indirect_vreg.gather [hbm4b:s6+s2], $0x80, v3, vm0, $0xb8;
	[tilespmem:$0x18100] =	vst v63  }
0x76: {  	s1 =	simm.s32 $0x8900  }
0x77: {  	[tilespmem:s1], [sflag:$0x3] =	stream.indirect_vreg.gather [hbm4b:s7+s2], $0x80, v3, vm0, $0xb8;
	[tilespmem:$0x18100] =	vst v63  }
0x78: {  	v3 =	vld [tilespmem:$0x30];
	_ =	sdelay $0x4  }
0x79: {  	v61 =	vshrl.u32 v3, $0x3  }
0x7a: {  	v4 =	vmul.u32 $0x30, v61  }
0x7b: {  	v3 =	vand.u32 $0x7, v3  }
0x7c: {  	v3 =	vor.u32 v3, v4  }
0x7d: {  	v4 =	vperm.xlane v3, v0;
	_ =	sdelay $0x1  }
0x7e: {  	v4 =	vadd.s32 v1, v4;
	_ =	sdelay $0x3  }
0x7f: {  	s11 =	simm.s32 $0x9100;
	v3 =	vperm.xlane v3, v2  }
0x80: {  	[tilespmem:s11], [sflag:$0x3] =	stream.indirect_vreg.gather [hbm4b:s3+s2], $0x80, v4, vm0, $0xb8;
	[tilespmem:$0x18100] =	vst v63  }
0x81: {  	s15 =	simm.s32 $0x9900;
	v3 =	vadd.s32 v1, v3  }
0x82: {  	[tilespmem:s15], [sflag:$0x3] =	stream.indirect_vreg.gather [hbm4b:s6+s2], $0x80, v4, vm0, $0xb8;
	[tilespmem:$0x18100] =	vst v63  }
0x83: {  	s16 =	simm.s32 $0xA100  }
0x84: {  	[tilespmem:s16], [sflag:$0x3] =	stream.indirect_vreg.gather [hbm4b:s7+s2], $0x80, v4, vm0, $0xb8;
	[tilespmem:$0x18100] =	vst v63  }
0x85: {  	s30 =	simm.s32 $0xA900  }
0x86: {  	[tilespmem:s30], [sflag:$0x3] =	stream.indirect_vreg.gather [hbm4b:s3+s2], $0x80, v3, vm0, $0xb8;
	[tilespmem:$0x18100] =	vst v63  }
0x87: {  	s31 =	simm.s32 $0xB100  }
0x88: {  	[tilespmem:s31], [sflag:$0x3] =	stream.indirect_vreg.gather [hbm4b:s6+s2], $0x80, v3, vm0, $0xb8;
	[tilespmem:$0x18100] =	vst v63  }
0x89: {  	s1 =	simm.s32 $0xB900  }
0x8a: {  	[tilespmem:s1], [sflag:$0x3] =	stream.indirect_vreg.gather [hbm4b:s7+s2], $0x80, v3, vm0, $0xb8;
	[tilespmem:$0x18100] =	vst v63  }
0x8b: {  	v3 =	vld [tilespmem:$0xA0];
	_ =	sdelay $0x4  }
0x8c: {  	v62 =	vshrl.u32 v3, $0x3  }
0x8d: {  	v4 =	vmul.u32 $0x30, v62  }
0x8e: {  	v3 =	vand.u32 $0x7, v3  }
0x8f: {  	v3 =	vor.u32 v3, v4  }
0x90: {  	v4 =	vperm.xlane v3, v0;
	_ =	sdelay $0x1  }
0x91: {  	v4 =	vadd.s32 v1, v4;
	_ =	sdelay $0x3  }
0x92: {  	s11 =	simm.s32 $0x12100;
	v3 =	vperm.xlane v3, v2  }
0x93: {  	[tilespmem:s11], [sflag:$0x4] =	stream.indirect_vreg.gather [hbm4b:s3+s2], $0x80, v4, vm0, $0xb8;
	[tilespmem:$0x18100] =	vst v63  }
0x94: {  	s15 =	simm.s32 $0x12900;
	v3 =	vadd.s32 v1, v3  }
0x95: {  	[tilespmem:s15], [sflag:$0x4] =	stream.indirect_vreg.gather [hbm4b:s6+s2], $0x80, v4, vm0, $0xb8;
	[tilespmem:$0x18100] =	vst v63  }
0x96: {  	s16 =	simm.s32 $0x13100  }
0x97: {  	[tilespmem:s16], [sflag:$0x4] =	stream.indirect_vreg.gather [hbm4b:s7+s2], $0x80, v4, vm0, $0xb8;
	[tilespmem:$0x18100] =	vst v63  }
0x98: {  	s30 =	simm.s32 $0x13900  }
0x99: {  	[tilespmem:s30], [sflag:$0x4] =	stream.indirect_vreg.gather [hbm4b:s3+s2], $0x80, v3, vm0, $0xb8;
	[tilespmem:$0x18100] =	vst v63  }
0x9a: {  	s31 =	simm.s32 $0x14100  }
0x9b: {  	[tilespmem:s31], [sflag:$0x4] =	stream.indirect_vreg.gather [hbm4b:s6+s2], $0x80, v3, vm0, $0xb8;
	[tilespmem:$0x18100] =	vst v63  }
0x9c: {  	_ = 	snop  }
0x9d: {  	[tilespmem:s17], [sflag:$0x4] =	stream.indirect_vreg.gather [hbm4b:s7+s2], $0x80, v3, vm0, $0xb8;
	[tilespmem:$0x18100] =	vst v63  }
0x9e: {  	v3 =	vld [tilespmem:$0xB0];
	_ =	sdelay $0x4  }
0x9f: {  	v63 =	vshrl.u32 v3, $0x3  }
0xa0: {  	v4 =	vmul.u32 $0x30, v63  }
0xa1: {  	v3 =	vand.u32 $0x7, v3  }
0xa2: {  	v3 =	vor.u32 v3, v4  }
0xa3: {  	v4 =	vperm.xlane v3, v0;
	_ =	sdelay $0x1  }
0xa4: {  	v4 =	vadd.s32 v1, v4;
	_ =	sdelay $0x3  }
0xa5: {  	v3 =	vperm.xlane v3, v2  }
0xa6: {  	[tilespmem:s18], [sflag:$0x4] =	stream.indirect_vreg.gather [hbm4b:s3+s2], $0x80, v4, vm0, $0xb8;
	[tilespmem:$0x18100] =	vst v63  }
0xa7: {  	v3 =	vadd.s32 v1, v3  }
0xa8: {  	[tilespmem:s20], [sflag:$0x4] =	stream.indirect_vreg.gather [hbm4b:s6+s2], $0x80, v4, vm0, $0xb8;
	[tilespmem:$0x18100] =	vst v63  }
0xa9: {  	_ = 	snop  }
0xaa: {  	[tilespmem:s21], [sflag:$0x4] =	stream.indirect_vreg.gather [hbm4b:s7+s2], $0x80, v4, vm0, $0xb8;
	[tilespmem:$0x18100] =	vst v63  }
0xab: {  	_ = 	snop  }
0xac: {  	[tilespmem:s22], [sflag:$0x4] =	stream.indirect_vreg.gather [hbm4b:s3+s2], $0x80, v3, vm0, $0xb8;
	[tilespmem:$0x18100] =	vst v63  }
0xad: {  	_ = 	snop  }
0xae: {  	[tilespmem:s23], [sflag:$0x4] =	stream.indirect_vreg.gather [hbm4b:s6+s2], $0x80, v3, vm0, $0xb8;
	[tilespmem:$0x18100] =	vst v63  }
0xaf: {  	_ = 	snop  }
0xb0: {  	[tilespmem:s24], [sflag:$0x4] =	stream.indirect_vreg.gather [hbm4b:s7+s2], $0x80, v3, vm0, $0xb8;
	[tilespmem:$0x18100] =	vst v63  }
0xb1: {  	_ =	swait.ge [sflag:s12], $0x6000  }
0xb2: {  	[sflag:s12] =	ssyncset.done $0x0  }
0xb3: {  	[sflag:s12] =	ssyncadd.s32 $0xFFFFA000  }
0xb4: {  	_ =	swait.ge [sflag:s13], $0x6000  }
0xb5: {  	[sflag:s13] =	ssyncset.done $0x0  }
0xb6: {  	s29 =	simm.s32 $0x0;
	[sflag:s13] =	ssyncadd.s32 $0xFFFFA000  }
.LBB2_2:
0xb7: {  	s0 =	sshrl.u32 s29, $0x3  }
0xb8: {  	s1 =	sshll.u32 s29, $0x7;
	s0 =	smul.u32 $0x1800, s0  }
0xb9: {  	s11 =	simm.s32 $0x0;
	s1 =	sand.u32 $0x380, s1  }
0xba: {  	s15 =	sand.u32 $0x1C00, s11;
	s30 =	sor.u32 s1, s0  }
0xbb: {  	s16 =	sand.u32 $0x70, s11;
	s0 =	sadd.s32 s30, s15  }
0xbc: {  	s31 =	sor.u32 s16, s0  }
0xbd: {  	v3 =	vld [tilespmem:s31+$0xC100]  }
0xbe: {  	s1 =	simm.s32 $0x80;
	s0 =	simm.s32 $0x10  }
.LBB2_3:
0xbf: {  	s11 =	sand.u32 $0x1C00, s1  }
0xc0: {  	p0 =	sne.s32 s0, $0x2F0;
	s15 =	smov.u32 s0;
	s0 =	sadd.s32 $0x10, s0  }
.Ltmp0:
0xc1: {  	s15 =	sand.u32 $0x70, s15;
	s11 =	sadd.s32 s30, s11;
	(pc) =	sbr.rel @p0 .LBB2_3-.Ltmp0, $3  }
0xc2: {  	[tilespmem:s31+$0x100] =	vst.add.f32.msk $0xffff, v3;
	s31 =	sor.u32 s15, s11  }
0xc3: {  	v3 =	vld [tilespmem:s31+$0xC100];
	_ =	sdelay $0x1  }
0xc4: {  	s1 =	sadd.s32 $0x80, s1  }
0xc5: {  	s29 =	sadd.s32 $0x1, s29  }
0xc6: {  	p0 =	sne.s32 s29, $0x20  }
.Ltmp1:
0xc7: {  	_ = 	snop;
	(pc) =	sbr.rel @p0 .LBB2_2-.Ltmp1, $2  }
0xc8: {  	_ =	sdelay $0x2  }
0xc9: {  	[tilespmem:s31+$0x100] =	vst.add.f32.msk $0xffff, v3  }
0xca: {  	s29 =	simm.s32 $0x0  }
0xcb: {  	[hbm4b:s8+s29] =	stream.linear.scatter [tilespmem:s14], [sflag:$0x1], $0x6000, $0x38;
	[tilespmem:$0x18100] =	vst v63  }
0xcc: {  	_ =	swait.ge [sflag:s25], $0x6000  }
0xcd: {  	[sflag:s25] =	ssyncset.done $0x0  }
0xce: {  	[sflag:s25] =	ssyncadd.s32 $0xFFFFA000  }
0xcf: {  	_ =	swait.ge [sflag:s26], $0x6000  }
0xd0: {  	[sflag:s26] =	ssyncset.done $0x0  }
0xd1: {  	s30 =	simm.s32 $0x0;
	[sflag:s26] =	ssyncadd.s32 $0xFFFFA000  }
.LBB2_6:
0xd2: {  	s0 =	sshrl.u32 s30, $0x3  }
0xd3: {  	s1 =	sshll.u32 s30, $0x7;
	s0 =	smul.u32 $0x1800, s0  }
0xd4: {  	s1 =	sand.u32 $0x380, s1  }
0xd5: {  	s0 =	sor.u32 s1, s0  }
0xd6: {  	s15 =	sand.u32 $0x1C00, s29;
	s31 =	sadd.s32 $0x6000, s0  }
0xd7: {  	s16 =	sand.u32 $0x70, s29;
	s0 =	sadd.s32 s15, s31  }
0xd8: {  	s0 =	sor.u32 s16, s0  }
0xd9: {  	v3 =	vld [tilespmem:s0+$0xC100]  }
0xda: {  	s11 =	simm.s32 $0x80;
	s1 =	simm.s32 $0x10  }
.LBB2_7:
0xdb: {  	s15 =	sand.u32 $0x1C00, s11  }
0xdc: {  	p0 =	sne.s32 s1, $0x2F0;
	s16 =	smov.u32 s1;
	s1 =	sadd.s32 $0x10, s1  }
.Ltmp2:
0xdd: {  	s16 =	sand.u32 $0x70, s16;
	s15 =	sadd.s32 s15, s31;
	(pc) =	sbr.rel @p0 .LBB2_7-.Ltmp2, $3  }
0xde: {  	[tilespmem:s0+$0x100] =	vst.add.f32.msk $0xffff, v3;
	s0 =	sor.u32 s16, s15  }
0xdf: {  	v3 =	vld [tilespmem:s0+$0xC100];
	_ =	sdelay $0x1  }
0xe0: {  	s11 =	sadd.s32 $0x80, s11  }
0xe1: {  	s30 =	sadd.s32 $0x1, s30  }
0xe2: {  	p0 =	sne.s32 s30, $0x20  }
.Ltmp3:
0xe3: {  	_ = 	snop;
	(pc) =	sbr.rel @p0 .LBB2_6-.Ltmp3, $2  }
0xe4: {  	_ =	sdelay $0x2  }
0xe5: {  	[tilespmem:s0+$0x100] =	vst.add.f32.msk $0xffff, v3  }
0xe6: {  	[hbm4b:s9+s2] =	stream.linear.scatter [tilespmem:s19], [sflag:$0x2], $0x6000, $0x38;
	[tilespmem:$0x18100] =	vst v63  }
0xe7: {  	s28 =	sadd.s32 $0x1, s28  }
0xe8: {  	_ =	swait.ge [sflag:s12], $0x6000;
	p0 =	sne.s32 s28, s10  }
.Ltmp4:
0xe9: {  	[sflag:s12] =	ssyncset.done $0x0;
	(pc) =	sbr.rel @p0 .LBB2_1-.Ltmp4, $4  }
0xea: {  	[sflag:s12] =	ssyncadd.s32 $0xFFFFA000  }
0xeb: {  	_ =	swait.ge [sflag:s13], $0x6000  }
0xec: {  	[sflag:s13] =	ssyncset.done $0x0  }
0xed: {  	[sflag:s13] =	ssyncadd.s32 $0xFFFFA000  }
0xee: {  	_ =	sfence.sel $0x180000  }
0xef: {  	[bflag:$0x0] =	sbarrier.arrive $0xFFFF  }
0xf0: {  	_ =	strace $0x9000004A  }
0xf1: {  	s0 =	stileid.u32;
	[bflag:$0x2] =	sbarrier.arrive $0xFFFF  }
0xf2: {  	p0 =	sne.s32 s0, $0x0;
	s0 =	rddreg [dreg:$0x2]  }
0xf3: {  	s0 =	sadd.s32 @!p0 $0x100000, s0  }
0xf4: {  	[sflag:s0] =	ssyncadd.tile.s32 @!p0 $0x1;
	_ =	shalt  }
.Lfunc_end2:
_tile_overlayer_lowered:
.L_overlay_start_2:
0xf5: {  	(tag) =	ssettag $0x2  }
0xf6: {  	s0 =	rddreg [dreg:$0x0];
	s2 =	stileid.u32  }
0xf7: {  	s1 =	rddreg [dreg:$0x1];
	p0 =	sne.s32 s2, $0x0  }
0xf8: {  	s3 =	rddreg [dreg:$0x2];
	[bflag:$0x3] =	sbarrier.arrive $0xFFFF;
	s2 =	simm.s32 @!p0 $0x1C05  }
0xf9: {  	[timem:s3], [sflag:s2] =	dma.local @!p0 [hbm:s0], s1  }
0xfa: {  	s0 =	simm.s32 @!p0 $0x5  }
0xfb: {  	_ =	swait.ge @!p0 [sflag:s0], s1  }
0xfc: {  	s1 =	ssub.s32 @!p0 $0x0, s1;
	[sflag:s0] =	ssyncset.done @!p0 $0x0  }
0xfd: {  	[sflag:s0] =	ssyncadd.s32 @!p0 s1  }
0xfe: {  	[bflag:$0x3] =	sbarrier.arrive $0xFFFF  }
0xff: {  	_ =	shalt  }

</sc_bundles>
